<compile_context>
chip_gen: v7x
topology: tpu7x:2x2x1
jax: 0.10.2.dev20260603
libtpu: 0.0.44.dev20260713+nightly
codegen_flags: <defaults>
</compile_context>

<pallas_src>
import jax
import jax.numpy as jnp
from jax import lax
from jax.experimental import pallas as pl
from jax.experimental.pallas import tpu as pltpu
from jax.experimental.pallas import tpu_sc as plsc

N = 10000
E = 320000
D = 128

NC = 2
NS = 16
NW = NC * NS
EPW = E // NW
CH = 80
NCHUNK = EPW // CH
NPAD = 10240
RPS = NPAD // NS


def _gather_body(x_hbm, src_hbm, dst_hbm, xs_hbm, xd_hbm,
                 idx_s, idx_d, buf_s, buf_d, sem):
    wid = lax.axis_index("s") * NC + lax.axis_index("c")
    pltpu.sync_copy(src_hbm.at[wid], idx_s)
    pltpu.sync_copy(dst_hbm.at[wid], idx_d)

    def step(j, carry):
        pltpu.async_copy(x_hbm.at[idx_s.at[j]], buf_s, sem).wait()
        pltpu.async_copy(x_hbm.at[idx_d.at[j]], buf_d, sem).wait()
        base = wid * EPW + j * CH
        pltpu.sync_copy(buf_s, xs_hbm.at[pl.ds(base, CH)])
        pltpu.sync_copy(buf_d, xd_hbm.at[pl.ds(base, CH)])
        return carry

    lax.fori_loop(0, NCHUNK, step, 0)


_gather = pl.kernel(
    _gather_body,
    out_type=(jax.ShapeDtypeStruct((E, D), jnp.float32),
              jax.ShapeDtypeStruct((E, D), jnp.float32)),
    mesh=plsc.VectorSubcoreMesh(core_axis_name="c", subcore_axis_name="s"),
    scratch_types=[
        pltpu.VMEM((NCHUNK, CH), jnp.int32),
        pltpu.VMEM((NCHUNK, CH), jnp.int32),
        pltpu.VMEM((CH, D), jnp.float32),
        pltpu.VMEM((CH, D), jnp.float32),
        pltpu.SemaphoreType.DMA,
    ],
)


def _mlp_body(xs_ref, xd_ref, w1_ref, b1_ref, w2r_ref, b2_ref, w4_ref,
              b4_ref, out_ref):
    xs = xs_ref[...]
    xd = xd_ref[...]
    theta = xd - xs
    h1 = jnp.dot(theta, w1_ref[...], preferred_element_type=jnp.float32)
    h1 = jnp.maximum(h1 + b1_ref[...], 0.0)
    logit = jnp.sum(h1 * w2r_ref[...], axis=1, keepdims=True) + b2_ref[0, 0]
    w = jax.nn.sigmoid(logit)
    xlin = jnp.dot(xd, w4_ref[...], preferred_element_type=jnp.float32)
    out_ref[...] = w * theta + xlin + b4_ref[...]


BE = 10000


def _mlp(xs, xd, W1, b1r, W2r, b2r, W4, b4r):
    full = lambda shape: pl.BlockSpec(shape, lambda i: (0, 0))
    return pl.pallas_call(
        _mlp_body,
        grid=(E // BE,),
        in_specs=[
            pl.BlockSpec((BE, D), lambda i: (i, 0)),
            pl.BlockSpec((BE, D), lambda i: (i, 0)),
            full((D, D)),
            full((1, D)),
            full((1, D)),
            pl.BlockSpec(memory_space=pltpu.SMEM),
            full((D, D)),
            full((1, D)),
        ],
        out_specs=pl.BlockSpec((BE, D), lambda i: (i, 0)),
        out_shape=jax.ShapeDtypeStruct((E, D), jnp.float32),
    )(xs, xd, W1, b1r, W2r, b2r, W4, b4r)


def _scatter_body(m_hbm, dst_hbm, z_hbm, out_hbm, idx_v, buf, acc, l_sem):
    c = lax.axis_index("c")
    s = lax.axis_index("s")
    wid = s * NC + c
    pltpu.sync_copy(z_hbm.at[pl.ds(s * RPS, RPS)], acc.at[pl.ds(s * RPS, RPS)])
    pltpu.sync_copy(dst_hbm.at[wid], idx_v)
    plsc.subcore_barrier()

    def load(j, p):
        base = wid * EPW + j * CH
        return pltpu.make_async_copy(m_hbm.at[pl.ds(base, CH)], buf.at[p],
                                     l_sem.at[p])

    load(0, 0).start()

    def step(j, carry):
        p = lax.rem(j, 2)

        @pl.when(j + 1 < NCHUNK)
        def _():
            load(j + 1, 1 - p).start()

        load(j, p).wait()
        pltpu.sync_copy(buf.at[p], acc.at[idx_v.at[j]], add=True)
        return carry

    lax.fori_loop(0, NCHUNK, step, 0)
    plsc.subcore_barrier()
    pltpu.sync_copy(acc.at[pl.ds(s * RPS, RPS)],
                    out_hbm.at[c, pl.ds(s * RPS, RPS)])


_scatter = pl.kernel(
    _scatter_body,
    out_type=jax.ShapeDtypeStruct((NC, NPAD, D), jnp.float32),
    mesh=plsc.VectorSubcoreMesh(core_axis_name="c", subcore_axis_name="s"),
    scratch_types=[
        pltpu.VMEM((NCHUNK, CH), jnp.int32),
        pltpu.VMEM((2, CH, D), jnp.float32),
        pltpu.VMEM_SHARED((NPAD, D), jnp.float32),
        pltpu.SemaphoreType.DMA((2,)),
    ],
)


def _combine_body(p_ref, out_ref):
    out_ref[...] = p_ref[0] + p_ref[1]


BN = 1000


def _combine(partials):
    return pl.pallas_call(
        _combine_body,
        grid=(N // BN,),
        in_specs=[pl.BlockSpec((NC, BN, D), lambda i: (0, i, 0))],
        out_specs=pl.BlockSpec((BN, D), lambda i: (i, 0)),
        out_shape=jax.ShapeDtypeStruct((N, D), jnp.float32),
    )(partials)


def kernel(x, edge_index, W1, b1, W2, b2, W4, b4):
    src3 = edge_index[0].reshape(NW, NCHUNK, CH)
    dst3 = edge_index[1].reshape(NW, NCHUNK, CH)
    xs, xd = _gather(x, src3, dst3)
    msg = _mlp(xs, xd, W1, b1.reshape(1, D), W2.reshape(1, D),
               b2.reshape(1, 1), W4, b4.reshape(1, D))
    partials = _scatter(msg, dst3, jnp.zeros((NPAD, D), jnp.float32))
    return _combine(partials)

# --- scband reference (transcript-rebuilt; emitter-appended) ---
"""Pipeline reference for scband-weight-edge-conv-16037407884014 (READ-ONLY COPY).

The authoritative reference and input builder live on the scoring server;
editing this copy changes nothing except your own understanding.
"""

import jax, jax.numpy as jnp
import numpy as np

N = 10000
E = 320000
D = 128


def setup_inputs(seed: int = 0) -> dict:
    key = jax.random.key(seed)
    ks = jax.random.split(key, 8)
    x = jax.random.normal(ks[0], (N, D), dtype=jnp.float32)
    edge_index = jax.random.randint(ks[1], (2, E), 0, N, dtype=jnp.int32)
    s = 1.0 / np.sqrt(D)
    W1 = jax.random.normal(ks[2], (D, D), dtype=jnp.float32) * s
    b1 = jnp.zeros((D,), dtype=jnp.float32)
    W2 = jax.random.normal(ks[3], (D, 1), dtype=jnp.float32) * s
    b2 = jnp.zeros((1,), dtype=jnp.float32)
    W4 = jax.random.normal(ks[4], (D, D), dtype=jnp.float32) * s
    b4 = jnp.zeros((D,), dtype=jnp.float32)
    return {"x": x, "edge_index": edge_index, "W1": W1, "b1": b1, "W2": W2, "b2": b2, "W4": W4, "b4": b4}


def reference(x, edge_index, W1, b1, W2, b2, W4, b4):
    src = edge_index[0]
    dst = edge_index[1]
    # apply_edges(fn.v_sub_u('x','x','theta')): theta = x_dst - x_src
    theta = jnp.take(x, dst, axis=0) - jnp.take(x, src, axis=0)
    # edge_regre: w = sigmoid(a_linear_2(relu(a_linear_1(theta))))
    h1 = jax.nn.relu(theta @ W1 + b1)
    w = jax.nn.sigmoid(h1 @ W2 + b2)  # [E, 1]
    # edge_weight: w_theta = w * theta
    w_theta = w * theta  # [E, D] (requires in_feat == out_feat)
    # dstdata['x'] = linear4(x_dst)
    x_lin = x @ W4 + b4  # [N, D]
    # update_all(fn.e_add_v('w_theta','x','h'), reduce=sum over mailbox)
    msg = w_theta + jnp.take(x_lin, dst, axis=0)
    h = jax.ops.segment_sum(msg, dst, num_segments=N)
    # self.activation is never set in __init__, so no activation is applied
    return h

if __name__ == "__main__":
    import jax
    _d = setup_inputs()
    print(jax.jit(kernel)(*tuple(_d.values())))

</pallas_src>

<mosaic_0001>
#map = affine_map<(d0, d1) -> (0, 0)>
#map1 = affine_map<(d0, d1) -> (0, 0, 0)>
module attributes {stable_mosaic.version = 14 : i64} {
  func.func @_gather_body(%arg0: i32, %arg1: i32, %arg2: memref<10000x128xf32, #tpu.memory_space<hbm>>, %arg3: memref<32x125x80xi32, #tpu.memory_space<hbm>>, %arg4: memref<32x125x80xi32, #tpu.memory_space<hbm>>, %arg5: memref<320000x128xf32, #tpu.memory_space<hbm>>, %arg6: memref<320000x128xf32, #tpu.memory_space<hbm>>, %arg7: memref<125x80xi32, #tpu.memory_space<vmem>>, %arg8: memref<125x80xi32, #tpu.memory_space<vmem>>, %arg9: memref<80x128xf32, #tpu.memory_space<vmem>>, %arg10: memref<80x128xf32, #tpu.memory_space<vmem>>, %arg11: memref<!tpu.dma_semaphore, #tpu.memory_space<semaphore_mem>>) attributes {dimension_semantics = [#tpu.dimension_semantics<core_parallel>, #tpu.dimension_semantics<subcore_parallel>], iteration_bounds = array<i64: 2, 16>, scalar_prefetch = 0 : i64, scratch_operands = 5 : i64, tpu.core_type = #tpu.core_type<sc_vector_subcore>, window_params = [{transform_indices = #map}, {transform_indices = #map1}, {transform_indices = #map1}, {transform_indices = #map}, {transform_indices = #map}]} {
    %mul3A = arith.constant 2 : i32
    %mul3A_0 = arith.muli %arg1, %mul3A : i32
    %add3A = arith.addi %mul3A_0, %arg0 : i32
    "tpu.region"() ({
      %run_scoped3A = tpu.sem_alloc : memref<!tpu.dma_semaphore, #tpu.memory_space<semaphore_mem>>
      %dma_start3A = arith.constant 0 : i32
      %dma_start3A_6 = arith.constant 0 : i32
      %dma_start3A_7 = tpu.memref_slice %arg3[%add3A, %dma_start3A, %dma_start3A_6] : memref<32x125x80xi32, #tpu.memory_space<hbm>> -> memref<1x125x80xi32, #tpu.memory_space<hbm>>
      %dma_start3A_8 = tpu.memref_squeeze %dma_start3A_7 : memref<1x125x80xi32, #tpu.memory_space<hbm>> -> memref<125x80xi32, #tpu.memory_space<hbm>>
      %dma_start3A_9 = arith.constant 0 : i32
      %dma_start3A_10 = arith.constant 0 : i32
      %dma_start3A_11 = tpu.memref_slice %arg3[%add3A, %dma_start3A_9, %dma_start3A_10] : memref<32x125x80xi32, #tpu.memory_space<hbm>> -> memref<1x125x80xi32, #tpu.memory_space<hbm>>
      %dma_start3A_12 = tpu.memref_squeeze %dma_start3A_11 : memref<1x125x80xi32, #tpu.memory_space<hbm>> -> memref<125x80xi32, #tpu.memory_space<hbm>>
      tpu.enqueue_dma source(%dma_start3A_12 : memref<125x80xi32, #tpu.memory_space<hbm>>) target(%arg7 : memref<125x80xi32, #tpu.memory_space<vmem>>) target_semaphore(%run_scoped3A : memref<!tpu.dma_semaphore, #tpu.memory_space<semaphore_mem>>)
      %dma_wait3A = arith.constant 0 : i32
      %dma_wait3A_13 = arith.constant 0 : i32
      %dma_wait3A_14 = tpu.memref_slice %arg3[%add3A, %dma_wait3A, %dma_wait3A_13] : memref<32x125x80xi32, #tpu.memory_space<hbm>> -> memref<1x125x80xi32, #tpu.memory_space<hbm>>
      %dma_wait3A_15 = tpu.memref_squeeze %dma_wait3A_14 : memref<1x125x80xi32, #tpu.memory_space<hbm>> -> memref<125x80xi32, #tpu.memory_space<hbm>>
      %dma_wait3A_16 = arith.constant 0 : i32
      %dma_wait3A_17 = arith.constant 0 : i32
      %dma_wait3A_18 = tpu.memref_slice %arg3[%add3A, %dma_wait3A_16, %dma_wait3A_17] : memref<32x125x80xi32, #tpu.memory_space<hbm>> -> memref<1x125x80xi32, #tpu.memory_space<hbm>>
      %dma_wait3A_19 = tpu.memref_squeeze %dma_wait3A_18 : memref<1x125x80xi32, #tpu.memory_space<hbm>> -> memref<125x80xi32, #tpu.memory_space<hbm>>
      tpu.wait_dma2 semaphore(%run_scoped3A : memref<!tpu.dma_semaphore, #tpu.memory_space<semaphore_mem>>) src(%dma_wait3A_19 : memref<125x80xi32, #tpu.memory_space<hbm>>) dst(%arg7 : memref<125x80xi32, #tpu.memory_space<vmem>>)
      tpu.yield
    }) : () -> ()
    "tpu.region"() ({
      %run_scoped3A = tpu.sem_alloc : memref<!tpu.dma_semaphore, #tpu.memory_space<semaphore_mem>>
      %dma_start3A = arith.constant 0 : i32
      %dma_start3A_6 = arith.constant 0 : i32
      %dma_start3A_7 = tpu.memref_slice %arg4[%add3A, %dma_start3A, %dma_start3A_6] : memref<32x125x80xi32, #tpu.memory_space<hbm>> -> memref<1x125x80xi32, #tpu.memory_space<hbm>>
      %dma_start3A_8 = tpu.memref_squeeze %dma_start3A_7 : memref<1x125x80xi32, #tpu.memory_space<hbm>> -> memref<125x80xi32, #tpu.memory_space<hbm>>
      %dma_start3A_9 = arith.constant 0 : i32
      %dma_start3A_10 = arith.constant 0 : i32
      %dma_start3A_11 = tpu.memref_slice %arg4[%add3A, %dma_start3A_9, %dma_start3A_10] : memref<32x125x80xi32, #tpu.memory_space<hbm>> -> memref<1x125x80xi32, #tpu.memory_space<hbm>>
      %dma_start3A_12 = tpu.memref_squeeze %dma_start3A_11 : memref<1x125x80xi32, #tpu.memory_space<hbm>> -> memref<125x80xi32, #tpu.memory_space<hbm>>
      tpu.enqueue_dma source(%dma_start3A_12 : memref<125x80xi32, #tpu.memory_space<hbm>>) target(%arg8 : memref<125x80xi32, #tpu.memory_space<vmem>>) target_semaphore(%run_scoped3A : memref<!tpu.dma_semaphore, #tpu.memory_space<semaphore_mem>>)
      %dma_wait3A = arith.constant 0 : i32
      %dma_wait3A_13 = arith.constant 0 : i32
      %dma_wait3A_14 = tpu.memref_slice %arg4[%add3A, %dma_wait3A, %dma_wait3A_13] : memref<32x125x80xi32, #tpu.memory_space<hbm>> -> memref<1x125x80xi32, #tpu.memory_space<hbm>>
      %dma_wait3A_15 = tpu.memref_squeeze %dma_wait3A_14 : memref<1x125x80xi32, #tpu.memory_space<hbm>> -> memref<125x80xi32, #tpu.memory_space<hbm>>
      %dma_wait3A_16 = arith.constant 0 : i32
      %dma_wait3A_17 = arith.constant 0 : i32
      %dma_wait3A_18 = tpu.memref_slice %arg4[%add3A, %dma_wait3A_16, %dma_wait3A_17] : memref<32x125x80xi32, #tpu.memory_space<hbm>> -> memref<1x125x80xi32, #tpu.memory_space<hbm>>
      %dma_wait3A_19 = tpu.memref_squeeze %dma_wait3A_18 : memref<1x125x80xi32, #tpu.memory_space<hbm>> -> memref<125x80xi32, #tpu.memory_space<hbm>>
      tpu.wait_dma2 semaphore(%run_scoped3A : memref<!tpu.dma_semaphore, #tpu.memory_space<semaphore_mem>>) src(%dma_wait3A_19 : memref<125x80xi32, #tpu.memory_space<hbm>>) dst(%arg8 : memref<125x80xi32, #tpu.memory_space<vmem>>)
      tpu.yield
    }) : () -> ()
    %scan3A = arith.constant 0 : i32
    %scan3A_1 = arith.constant 0 : i32
    %scan3A_2 = arith.constant 125 : i32
    %scan3A_3 = arith.addi %scan3A_1, %scan3A_2 : i32
    %scan3A_4 = arith.constant 1 : i32
    scf.for %scan3A_6 = %scan3A_1 to %scan3A_3 step %scan3A_4  : i32 {
      %dma_start3A = arith.constant 0 : i32
      %dma_start3A_7 = tpu.memref_slice %arg7[%scan3A_6, %dma_start3A] : memref<125x80xi32, #tpu.memory_space<vmem>> -> memref<1x80xi32, #tpu.memory_space<vmem>>
      %dma_start3A_8 = tpu.memref_squeeze %dma_start3A_7 : memref<1x80xi32, #tpu.memory_space<vmem>> -> memref<80xi32, #tpu.memory_space<vmem>>
      %dma_start3A_9 = arith.constant 0 : i32
      %dma_start3A_10 = arith.constant 0 : i32
      %dma_start3A_11 = tpu.memref_slice %arg2[%dma_start3A_9, %dma_start3A_10] : memref<10000x128xf32, #tpu.memory_space<hbm>> -> memref<10000x128xf32, #tpu.memory_space<hbm>>
      tpu.enqueue_indirect_dma source(%dma_start3A_11 : memref<10000x128xf32, #tpu.memory_space<hbm>>) target(%arg9 : memref<80x128xf32, #tpu.memory_space<vmem>>) offsets(%dma_start3A_8 : memref<80xi32, #tpu.memory_space<vmem>>) semaphore(%arg11 : memref<!tpu.dma_semaphore, #tpu.memory_space<semaphore_mem>>)
      %dma_wait3A = arith.constant 0 : i32
      %dma_wait3A_12 = tpu.memref_slice %arg7[%scan3A_6, %dma_wait3A] : memref<125x80xi32, #tpu.memory_space<vmem>> -> memref<1x80xi32, #tpu.memory_space<vmem>>
      %dma_wait3A_13 = tpu.memref_squeeze %dma_wait3A_12 : memref<1x80xi32, #tpu.memory_space<vmem>> -> memref<80xi32, #tpu.memory_space<vmem>>
      %dma_wait3A_14 = arith.constant 0 : i32
      %dma_wait3A_15 = arith.constant 0 : i32
      %dma_wait3A_16 = tpu.memref_slice %arg2[%dma_wait3A_14, %dma_wait3A_15] : memref<10000x128xf32, #tpu.memory_space<hbm>> -> memref<10000x128xf32, #tpu.memory_space<hbm>>
      tpu.wait_indirect_dma semaphore(%arg11 : memref<!tpu.dma_semaphore, #tpu.memory_space<semaphore_mem>>) src(%dma_wait3A_16 : memref<10000x128xf32, #tpu.memory_space<hbm>>) dst(%arg9 : memref<80x128xf32, #tpu.memory_space<vmem>>)
      %dma_start3A_17 = arith.constant 0 : i32
      %dma_start3A_18 = tpu.memref_slice %arg8[%scan3A_6, %dma_start3A_17] : memref<125x80xi32, #tpu.memory_space<vmem>> -> memref<1x80xi32, #tpu.memory_space<vmem>>
      %dma_start3A_19 = tpu.memref_squeeze %dma_start3A_18 : memref<1x80xi32, #tpu.memory_space<vmem>> -> memref<80xi32, #tpu.memory_space<vmem>>
      %dma_start3A_20 = arith.constant 0 : i32
      %dma_start3A_21 = arith.constant 0 : i32
      %dma_start3A_22 = tpu.memref_slice %arg2[%dma_start3A_20, %dma_start3A_21] : memref<10000x128xf32, #tpu.memory_space<hbm>> -> memref<10000x128xf32, #tpu.memory_space<hbm>>
      tpu.enqueue_indirect_dma source(%dma_start3A_22 : memref<10000x128xf32, #tpu.memory_space<hbm>>) target(%arg10 : memref<80x128xf32, #tpu.memory_space<vmem>>) offsets(%dma_start3A_19 : memref<80xi32, #tpu.memory_space<vmem>>) semaphore(%arg11 : memref<!tpu.dma_semaphore, #tpu.memory_space<semaphore_mem>>)
      %dma_wait3A_23 = arith.constant 0 : i32
      %dma_wait3A_24 = tpu.memref_slice %arg8[%scan3A_6, %dma_wait3A_23] : memref<125x80xi32, #tpu.memory_space<vmem>> -> memref<1x80xi32, #tpu.memory_space<vmem>>
      %dma_wait3A_25 = tpu.memref_squeeze %dma_wait3A_24 : memref<1x80xi32, #tpu.memory_space<vmem>> -> memref<80xi32, #tpu.memory_space<vmem>>
      %dma_wait3A_26 = arith.constant 0 : i32
      %dma_wait3A_27 = arith.constant 0 : i32
      %dma_wait3A_28 = tpu.memref_slice %arg2[%dma_wait3A_26, %dma_wait3A_27] : memref<10000x128xf32, #tpu.memory_space<hbm>> -> memref<10000x128xf32, #tpu.memory_space<hbm>>
      tpu.wait_indirect_dma semaphore(%arg11 : memref<!tpu.dma_semaphore, #tpu.memory_space<semaphore_mem>>) src(%dma_wait3A_28 : memref<10000x128xf32, #tpu.memory_space<hbm>>) dst(%arg10 : memref<80x128xf32, #tpu.memory_space<vmem>>)
      %mul3A_29 = arith.constant 10000 : i32
      %mul3A_30 = arith.muli %add3A, %mul3A_29 : i32
      %mul3A_31 = arith.constant 80 : i32
      %mul3A_32 = arith.muli %scan3A_6, %mul3A_31 : i32
      %add3A_33 = arith.addi %mul3A_30, %mul3A_32 : i32
      "tpu.region"() ({
        %run_scoped3A = tpu.sem_alloc : memref<!tpu.dma_semaphore, #tpu.memory_space<semaphore_mem>>
        %dma_start3A_34 = arith.constant 0 : i32
        %dma_start3A_35 = tpu.memref_slice %arg5[%add3A_33, %dma_start3A_34] : memref<320000x128xf32, #tpu.memory_space<hbm>> -> memref<80x128xf32, #tpu.memory_space<hbm>>
        %dma_start3A_36 = arith.constant 0 : i32
        %dma_start3A_37 = tpu.memref_slice %arg5[%add3A_33, %dma_start3A_36] : memref<320000x128xf32, #tpu.memory_space<hbm>> -> memref<80x128xf32, #tpu.memory_space<hbm>>
        tpu.enqueue_dma source(%arg9 : memref<80x128xf32, #tpu.memory_space<vmem>>) target(%dma_start3A_37 : memref<80x128xf32, #tpu.memory_space<hbm>>) target_semaphore(%run_scoped3A : memref<!tpu.dma_semaphore, #tpu.memory_space<semaphore_mem>>)
        %dma_wait3A_38 = arith.constant 0 : i32
        %dma_wait3A_39 = tpu.memref_slice %arg5[%add3A_33, %dma_wait3A_38] : memref<320000x128xf32, #tpu.memory_space<hbm>> -> memref<80x128xf32, #tpu.memory_space<hbm>>
        %dma_wait3A_40 = arith.constant 0 : i32
        %dma_wait3A_41 = tpu.memref_slice %arg5[%add3A_33, %dma_wait3A_40] : memref<320000x128xf32, #tpu.memory_space<hbm>> -> memref<80x128xf32, #tpu.memory_space<hbm>>
        tpu.wait_dma2 semaphore(%run_scoped3A : memref<!tpu.dma_semaphore, #tpu.memory_space<semaphore_mem>>) src(%arg9 : memref<80x128xf32, #tpu.memory_space<vmem>>) dst(%dma_wait3A_41 : memref<80x128xf32, #tpu.memory_space<hbm>>)
        tpu.yield
      }) : () -> ()
      "tpu.region"() ({
        %run_scoped3A = tpu.sem_alloc : memref<!tpu.dma_semaphore, #tpu.memory_space<semaphore_mem>>
        %dma_start3A_34 = arith.constant 0 : i32
        %dma_start3A_35 = tpu.memref_slice %arg6[%add3A_33, %dma_start3A_34] : memref<320000x128xf32, #tpu.memory_space<hbm>> -> memref<80x128xf32, #tpu.memory_space<hbm>>
        %dma_start3A_36 = arith.constant 0 : i32
        %dma_start3A_37 = tpu.memref_slice %arg6[%add3A_33, %dma_start3A_36] : memref<320000x128xf32, #tpu.memory_space<hbm>> -> memref<80x128xf32, #tpu.memory_space<hbm>>
        tpu.enqueue_dma source(%arg10 : memref<80x128xf32, #tpu.memory_space<vmem>>) target(%dma_start3A_37 : memref<80x128xf32, #tpu.memory_space<hbm>>) target_semaphore(%run_scoped3A : memref<!tpu.dma_semaphore, #tpu.memory_space<semaphore_mem>>)
        %dma_wait3A_38 = arith.constant 0 : i32
        %dma_wait3A_39 = tpu.memref_slice %arg6[%add3A_33, %dma_wait3A_38] : memref<320000x128xf32, #tpu.memory_space<hbm>> -> memref<80x128xf32, #tpu.memory_space<hbm>>
        %dma_wait3A_40 = arith.constant 0 : i32
        %dma_wait3A_41 = tpu.memref_slice %arg6[%add3A_33, %dma_wait3A_40] : memref<320000x128xf32, #tpu.memory_space<hbm>> -> memref<80x128xf32, #tpu.memory_space<hbm>>
        tpu.wait_dma2 semaphore(%run_scoped3A : memref<!tpu.dma_semaphore, #tpu.memory_space<semaphore_mem>>) src(%arg10 : memref<80x128xf32, #tpu.memory_space<vmem>>) dst(%dma_wait3A_41 : memref<80x128xf32, #tpu.memory_space<hbm>>)
        tpu.yield
      }) : () -> ()
    }
    %scan3A_5 = arith.constant 125 : i32
    return
  }
}

#map = affine_map<(d0, d1) -> (0, 0)>
#map1 = affine_map<(d0, d1) -> (0, 0, 0)>
module attributes {stable_mosaic.version = 14 : i64} {
  func.func @_scatter_body(%arg0: i32, %arg1: i32, %arg2: memref<320000x128xf32, #tpu.memory_space<hbm>>, %arg3: memref<32x125x80xi32, #tpu.memory_space<hbm>>, %arg4: memref<10240x128xf32, #tpu.memory_space<hbm>>, %arg5: memref<2x10240x128xf32, #tpu.memory_space<hbm>>, %arg6: memref<125x80xi32, #tpu.memory_space<vmem>>, %arg7: memref<2x80x128xf32, #tpu.memory_space<vmem>>, %arg8: memref<10240x128xf32, #tpu.memory_space<vmem_shared>>, %arg9: memref<2x!tpu.dma_semaphore, #tpu.memory_space<semaphore_mem>>) attributes {dimension_semantics = [#tpu.dimension_semantics<core_parallel>, #tpu.dimension_semantics<subcore_parallel>], iteration_bounds = array<i64: 2, 16>, scalar_prefetch = 0 : i64, scratch_operands = 4 : i64, tpu.core_type = #tpu.core_type<sc_vector_subcore>, window_params = [{transform_indices = #map}, {transform_indices = #map1}, {transform_indices = #map}, {transform_indices = #map1}]} {
    %mul3A = arith.constant 2 : i32
    %mul3A_0 = arith.muli %arg1, %mul3A : i32
    %add3A = arith.addi %mul3A_0, %arg0 : i32
    %mul3A_1 = arith.constant 640 : i32
    %mul3A_2 = arith.muli %arg1, %mul3A_1 : i32
    %mul3A_3 = arith.constant 640 : i32
    %mul3A_4 = arith.muli %arg1, %mul3A_3 : i32
    "tpu.region"() ({
      %run_scoped3A = tpu.sem_alloc : memref<!tpu.dma_semaphore, #tpu.memory_space<semaphore_mem>>
      %dma_start3A_34 = arith.constant 0 : i32
      %dma_start3A_35 = tpu.memref_slice %arg8[%mul3A_4, %dma_start3A_34] : memref<10240x128xf32, #tpu.memory_space<vmem_shared>> -> memref<640x128xf32, #tpu.memory_space<vmem_shared>>
      %dma_start3A_36 = arith.constant 0 : i32
      %dma_start3A_37 = tpu.memref_slice %arg4[%mul3A_2, %dma_start3A_36] : memref<10240x128xf32, #tpu.memory_space<hbm>> -> memref<640x128xf32, #tpu.memory_space<hbm>>
      tpu.enqueue_dma source(%dma_start3A_37 : memref<640x128xf32, #tpu.memory_space<hbm>>) target(%dma_start3A_35 : memref<640x128xf32, #tpu.memory_space<vmem_shared>>) target_semaphore(%run_scoped3A : memref<!tpu.dma_semaphore, #tpu.memory_space<semaphore_mem>>)
      %dma_wait3A = arith.constant 0 : i32
      %dma_wait3A_38 = tpu.memref_slice %arg8[%mul3A_4, %dma_wait3A] : memref<10240x128xf32, #tpu.memory_space<vmem_shared>> -> memref<640x128xf32, #tpu.memory_space<vmem_shared>>
      %dma_wait3A_39 = arith.constant 0 : i32
      %dma_wait3A_40 = tpu.memref_slice %arg4[%mul3A_2, %dma_wait3A_39] : memref<10240x128xf32, #tpu.memory_space<hbm>> -> memref<640x128xf32, #tpu.memory_space<hbm>>
      tpu.wait_dma2 semaphore(%run_scoped3A : memref<!tpu.dma_semaphore, #tpu.memory_space<semaphore_mem>>) src(%dma_wait3A_40 : memref<640x128xf32, #tpu.memory_space<hbm>>) dst(%dma_wait3A_38 : memref<640x128xf32, #tpu.memory_space<vmem_shared>>)
      tpu.yield
    }) : () -> ()
    "tpu.region"() ({
      %run_scoped3A = tpu.sem_alloc : memref<!tpu.dma_semaphore, #tpu.memory_space<semaphore_mem>>
      %dma_start3A_34 = arith.constant 0 : i32
      %dma_start3A_35 = arith.constant 0 : i32
      %dma_start3A_36 = tpu.memref_slice %arg3[%add3A, %dma_start3A_34, %dma_start3A_35] : memref<32x125x80xi32, #tpu.memory_space<hbm>> -> memref<1x125x80xi32, #tpu.memory_space<hbm>>
      %dma_start3A_37 = tpu.memref_squeeze %dma_start3A_36 : memref<1x125x80xi32, #tpu.memory_space<hbm>> -> memref<125x80xi32, #tpu.memory_space<hbm>>
      %dma_start3A_38 = arith.constant 0 : i32
      %dma_start3A_39 = arith.constant 0 : i32
      %dma_start3A_40 = tpu.memref_slice %arg3[%add3A, %dma_start3A_38, %dma_start3A_39] : memref<32x125x80xi32, #tpu.memory_space<hbm>> -> memref<1x125x80xi32, #tpu.memory_space<hbm>>
      %dma_start3A_41 = tpu.memref_squeeze %dma_start3A_40 : memref<1x125x80xi32, #tpu.memory_space<hbm>> -> memref<125x80xi32, #tpu.memory_space<hbm>>
      tpu.enqueue_dma source(%dma_start3A_41 : memref<125x80xi32, #tpu.memory_space<hbm>>) target(%arg6 : memref<125x80xi32, #tpu.memory_space<vmem>>) target_semaphore(%run_scoped3A : memref<!tpu.dma_semaphore, #tpu.memory_space<semaphore_mem>>)
      %dma_wait3A = arith.constant 0 : i32
      %dma_wait3A_42 = arith.constant 0 : i32
      %dma_wait3A_43 = tpu.memref_slice %arg3[%add3A, %dma_wait3A, %dma_wait3A_42] : memref<32x125x80xi32, #tpu.memory_space<hbm>> -> memref<1x125x80xi32, #tpu.memory_space<hbm>>
      %dma_wait3A_44 = tpu.memref_squeeze %dma_wait3A_43 : memref<1x125x80xi32, #tpu.memory_space<hbm>> -> memref<125x80xi32, #tpu.memory_space<hbm>>
      %dma_wait3A_45 = arith.constant 0 : i32
      %dma_wait3A_46 = arith.constant 0 : i32
      %dma_wait3A_47 = tpu.memref_slice %arg3[%add3A, %dma_wait3A_45, %dma_wait3A_46] : memref<32x125x80xi32, #tpu.memory_space<hbm>> -> memref<1x125x80xi32, #tpu.memory_space<hbm>>
      %dma_wait3A_48 = tpu.memref_squeeze %dma_wait3A_47 : memref<1x125x80xi32, #tpu.memory_space<hbm>> -> memref<125x80xi32, #tpu.memory_space<hbm>>
      tpu.wait_dma2 semaphore(%run_scoped3A : memref<!tpu.dma_semaphore, #tpu.memory_space<semaphore_mem>>) src(%dma_wait3A_48 : memref<125x80xi32, #tpu.memory_space<hbm>>) dst(%arg6 : memref<125x80xi32, #tpu.memory_space<vmem>>)
      tpu.yield
    }) : () -> ()
    %barrier3A = arith.constant 0 : index
    tpu.barrier barrier_id(%barrier3A)
    %mul3A_5 = arith.constant 10000 : i32
    %mul3A_6 = arith.muli %add3A, %mul3A_5 : i32
    %add3A_7 = arith.constant 0 : i32
    %add3A_8 = arith.addi %mul3A_6, %add3A_7 : i32
    %dma_start3A = arith.constant 0 : i32
    %dma_start3A_9 = arith.constant 0 : i32
    %dma_start3A_10 = arith.constant 0 : i32
    %dma_start3A_11 = arith.constant 0 : i32
    %dma_start3A_12 = tpu.memref_slice %arg7[%dma_start3A, %dma_start3A_10, %dma_start3A_11] : memref<2x80x128xf32, #tpu.memory_space<vmem>> -> memref<1x80x128xf32, #tpu.memory_space<vmem>>
    %dma_start3A_13 = tpu.memref_squeeze %dma_start3A_12 : memref<1x80x128xf32, #tpu.memory_space<vmem>> -> memref<80x128xf32, #tpu.memory_space<vmem>>
    %dma_start3A_14 = arith.constant 0 : i32
    %dma_start3A_15 = tpu.memref_slice %arg2[%add3A_8, %dma_start3A_14] : memref<320000x128xf32, #tpu.memory_space<hbm>> -> memref<80x128xf32, #tpu.memory_space<hbm>>
    %dma_start3A_16 = tpu.memref_slice %arg9[%dma_start3A_9] : memref<2x!tpu.dma_semaphore, #tpu.memory_space<semaphore_mem>> -> memref<1x!tpu.dma_semaphore, #tpu.memory_space<semaphore_mem>>
    %dma_start3A_17 = tpu.memref_squeeze %dma_start3A_16 : memref<1x!tpu.dma_semaphore, #tpu.memory_space<semaphore_mem>> -> memref<!tpu.dma_semaphore, #tpu.memory_space<semaphore_mem>>
    %dma_start3A_18 = arith.constant 0 : i32
    %dma_start3A_19 = arith.constant 0 : i32
    %dma_start3A_20 = tpu.memref_slice %arg7[%dma_start3A, %dma_start3A_18, %dma_start3A_19] : memref<2x80x128xf32, #tpu.memory_space<vmem>> -> memref<1x80x128xf32, #tpu.memory_space<vmem>>
    %dma_start3A_21 = tpu.memref_squeeze %dma_start3A_20 : memref<1x80x128xf32, #tpu.memory_space<vmem>> -> memref<80x128xf32, #tpu.memory_space<vmem>>
    %dma_start3A_22 = arith.constant 0 : i32
    %dma_start3A_23 = tpu.memref_slice %arg2[%add3A_8, %dma_start3A_22] : memref<320000x128xf32, #tpu.memory_space<hbm>> -> memref<80x128xf32, #tpu.memory_space<hbm>>
    tpu.enqueue_dma source(%dma_start3A_23 : memref<80x128xf32, #tpu.memory_space<hbm>>) target(%dma_start3A_21 : memref<80x128xf32, #tpu.memory_space<vmem>>) target_semaphore(%dma_start3A_17 : memref<!tpu.dma_semaphore, #tpu.memory_space<semaphore_mem>>)
    %scan3A = arith.constant 0 : i32
    %scan3A_24 = arith.constant 0 : i32
    %scan3A_25 = arith.constant 125 : i32
    %scan3A_26 = arith.addi %scan3A_24, %scan3A_25 : i32
    %scan3A_27 = arith.constant 1 : i32
    scf.for %scan3A_34 = %scan3A_24 to %scan3A_26 step %scan3A_27  : i32 {
      %rem3A = arith.constant 2 : i32
      %rem3A_35 = arith.remsi %scan3A_34, %rem3A : i32
      %add3A_36 = arith.constant 1 : i32
      %add3A_37 = arith.addi %scan3A_34, %add3A_36 : i32
      %lt3A = arith.constant 125 : i32
      %lt3A_38 = arith.cmpi slt, %add3A_37, %lt3A : i32
      %convert_element_type3A = arith.extui %lt3A_38 : i1 to i32
      %cond3A = arith.constant 0 : i32
      %cond3A_39 = arith.cmpi ne, %convert_element_type3A, %cond3A : i32
      scf.if %cond3A_39 {
        %add3A_58 = arith.constant 1 : i32
        %add3A_59 = arith.addi %scan3A_34, %add3A_58 : i32
        %sub3A = arith.constant 1 : i32
        %sub3A_60 = arith.subi %sub3A, %rem3A_35 : i32
        %mul3A_61 = arith.constant 10000 : i32
        %mul3A_62 = arith.muli %add3A, %mul3A_61 : i32
        %mul3A_63 = arith.constant 80 : i32
        %mul3A_64 = arith.muli %add3A_59, %mul3A_63 : i32
        %add3A_65 = arith.addi %mul3A_62, %mul3A_64 : i32
        %dma_start3A_66 = arith.constant 0 : i32
        %dma_start3A_67 = arith.constant 0 : i32
        %dma_start3A_68 = tpu.memref_slice %arg7[%sub3A_60, %dma_start3A_66, %dma_start3A_67] : memref<2x80x128xf32, #tpu.memory_space<vmem>> -> memref<1x80x128xf32, #tpu.memory_space<vmem>>
        %dma_start3A_69 = tpu.memref_squeeze %dma_start3A_68 : memref<1x80x128xf32, #tpu.memory_space<vmem>> -> memref<80x128xf32, #tpu.memory_space<vmem>>
        %dma_start3A_70 = arith.constant 0 : i32
        %dma_start3A_71 = tpu.memref_slice %arg2[%add3A_65, %dma_start3A_70] : memref<320000x128xf32, #tpu.memory_space<hbm>> -> memref<80x128xf32, #tpu.memory_space<hbm>>
        %dma_start3A_72 = tpu.memref_slice %arg9[%sub3A_60] : memref<2x!tpu.dma_semaphore, #tpu.memory_space<semaphore_mem>> -> memref<1x!tpu.dma_semaphore, #tpu.memory_space<semaphore_mem>>
        %dma_start3A_73 = tpu.memref_squeeze %dma_start3A_72 : memref<1x!tpu.dma_semaphore, #tpu.memory_space<semaphore_mem>> -> memref<!tpu.dma_semaphore, #tpu.memory_space<semaphore_mem>>
        %dma_start3A_74 = arith.constant 0 : i32
        %dma_start3A_75 = arith.constant 0 : i32
        %dma_start3A_76 = tpu.memref_slice %arg7[%sub3A_60, %dma_start3A_74, %dma_start3A_75] : memref<2x80x128xf32, #tpu.memory_space<vmem>> -> memref<1x80x128xf32, #tpu.memory_space<vmem>>
        %dma_start3A_77 = tpu.memref_squeeze %dma_start3A_76 : memref<1x80x128xf32, #tpu.memory_space<vmem>> -> memref<80x128xf32, #tpu.memory_space<vmem>>
        %dma_start3A_78 = arith.constant 0 : i32
        %dma_start3A_79 = tpu.memref_slice %arg2[%add3A_65, %dma_start3A_78] : memref<320000x128xf32, #tpu.memory_space<hbm>> -> memref<80x128xf32, #tpu.memory_space<hbm>>
        tpu.enqueue_dma source(%dma_start3A_79 : memref<80x128xf32, #tpu.memory_space<hbm>>) target(%dma_start3A_77 : memref<80x128xf32, #tpu.memory_space<vmem>>) target_semaphore(%dma_start3A_73 : memref<!tpu.dma_semaphore, #tpu.memory_space<semaphore_mem>>)
      } else {
      }
      %mul3A_40 = arith.constant 10000 : i32
      %mul3A_41 = arith.muli %add3A, %mul3A_40 : i32
      %mul3A_42 = arith.constant 80 : i32
      %mul3A_43 = arith.muli %scan3A_34, %mul3A_42 : i32
      %add3A_44 = arith.addi %mul3A_41, %mul3A_43 : i32
      %dma_wait3A = arith.constant 0 : i32
      %dma_wait3A_45 = arith.constant 0 : i32
      %dma_wait3A_46 = tpu.memref_slice %arg7[%rem3A_35, %dma_wait3A, %dma_wait3A_45] : memref<2x80x128xf32, #tpu.memory_space<vmem>> -> memref<1x80x128xf32, #tpu.memory_space<vmem>>
      %dma_wait3A_47 = tpu.memref_squeeze %dma_wait3A_46 : memref<1x80x128xf32, #tpu.memory_space<vmem>> -> memref<80x128xf32, #tpu.memory_space<vmem>>
      %dma_wait3A_48 = arith.constant 0 : i32
      %dma_wait3A_49 = tpu.memref_slice %arg2[%add3A_44, %dma_wait3A_48] : memref<320000x128xf32, #tpu.memory_space<hbm>> -> memref<80x128xf32, #tpu.memory_space<hbm>>
      %dma_wait3A_50 = tpu.memref_slice %arg9[%rem3A_35] : memref<2x!tpu.dma_semaphore, #tpu.memory_space<semaphore_mem>> -> memref<1x!tpu.dma_semaphore, #tpu.memory_space<semaphore_mem>>
      %dma_wait3A_51 = tpu.memref_squeeze %dma_wait3A_50 : memref<1x!tpu.dma_semaphore, #tpu.memory_space<semaphore_mem>> -> memref<!tpu.dma_semaphore, #tpu.memory_space<semaphore_mem>>
      %dma_wait3A_52 = arith.constant 0 : i32
      %dma_wait3A_53 = arith.constant 0 : i32
      %dma_wait3A_54 = tpu.memref_slice %arg7[%rem3A_35, %dma_wait3A_52, %dma_wait3A_53] : memref<2x80x128xf32, #tpu.memory_space<vmem>> -> memref<1x80x128xf32, #tpu.memory_space<vmem>>
      %dma_wait3A_55 = tpu.memref_squeeze %dma_wait3A_54 : memref<1x80x128xf32, #tpu.memory_space<vmem>> -> memref<80x128xf32, #tpu.memory_space<vmem>>
      %dma_wait3A_56 = arith.constant 0 : i32
      %dma_wait3A_57 = tpu.memref_slice %arg2[%add3A_44, %dma_wait3A_56] : memref<320000x128xf32, #tpu.memory_space<hbm>> -> memref<80x128xf32, #tpu.memory_space<hbm>>
      tpu.wait_dma2 semaphore(%dma_wait3A_51 : memref<!tpu.dma_semaphore, #tpu.memory_space<semaphore_mem>>) src(%dma_wait3A_57 : memref<80x128xf32, #tpu.memory_space<hbm>>) dst(%dma_wait3A_55 : memref<80x128xf32, #tpu.memory_space<vmem>>)
      "tpu.region"() ({
        %run_scoped3A = tpu.sem_alloc : memref<!tpu.dma_semaphore, #tpu.memory_space<semaphore_mem>>
        %dma_start3A_58 = arith.constant 0 : i32
        %dma_start3A_59 = arith.constant 0 : i32
        %dma_start3A_60 = tpu.memref_slice %arg7[%rem3A_35, %dma_start3A_58, %dma_start3A_59] : memref<2x80x128xf32, #tpu.memory_space<vmem>> -> memref<1x80x128xf32, #tpu.memory_space<vmem>>
        %dma_start3A_61 = tpu.memref_squeeze %dma_start3A_60 : memref<1x80x128xf32, #tpu.memory_space<vmem>> -> memref<80x128xf32, #tpu.memory_space<vmem>>
        %dma_start3A_62 = arith.constant 0 : i32
        %dma_start3A_63 = tpu.memref_slice %arg6[%scan3A_34, %dma_start3A_62] : memref<125x80xi32, #tpu.memory_space<vmem>> -> memref<1x80xi32, #tpu.memory_space<vmem>>
        %dma_start3A_64 = tpu.memref_squeeze %dma_start3A_63 : memref<1x80xi32, #tpu.memory_space<vmem>> -> memref<80xi32, #tpu.memory_space<vmem>>
        %dma_start3A_65 = arith.constant 0 : i32
        %dma_start3A_66 = arith.constant 0 : i32
        %dma_start3A_67 = tpu.memref_slice %arg8[%dma_start3A_65, %dma_start3A_66] : memref<10240x128xf32, #tpu.memory_space<vmem_shared>> -> memref<10240x128xf32, #tpu.memory_space<vmem_shared>>
        tpu.enqueue_indirect_dma source(%dma_start3A_61 : memref<80x128xf32, #tpu.memory_space<vmem>>) target(%dma_start3A_67 : memref<10240x128xf32, #tpu.memory_space<vmem_shared>>) offsets(%dma_start3A_64 : memref<80xi32, #tpu.memory_space<vmem>>) semaphore(%run_scoped3A : memref<!tpu.dma_semaphore, #tpu.memory_space<semaphore_mem>>) {add = true}
        %dma_wait3A_68 = arith.constant 0 : i32
        %dma_wait3A_69 = arith.constant 0 : i32
        %dma_wait3A_70 = tpu.memref_slice %arg7[%rem3A_35, %dma_wait3A_68, %dma_wait3A_69] : memref<2x80x128xf32, #tpu.memory_space<vmem>> -> memref<1x80x128xf32, #tpu.memory_space<vmem>>
        %dma_wait3A_71 = tpu.memref_squeeze %dma_wait3A_70 : memref<1x80x128xf32, #tpu.memory_space<vmem>> -> memref<80x128xf32, #tpu.memory_space<vmem>>
        %dma_wait3A_72 = arith.constant 0 : i32
        %dma_wait3A_73 = tpu.memref_slice %arg6[%scan3A_34, %dma_wait3A_72] : memref<125x80xi32, #tpu.memory_space<vmem>> -> memref<1x80xi32, #tpu.memory_space<vmem>>
        %dma_wait3A_74 = tpu.memref_squeeze %dma_wait3A_73 : memref<1x80xi32, #tpu.memory_space<vmem>> -> memref<80xi32, #tpu.memory_space<vmem>>
        %dma_wait3A_75 = arith.constant 0 : i32
        %dma_wait3A_76 = arith.constant 0 : i32
        %dma_wait3A_77 = tpu.memref_slice %arg8[%dma_wait3A_75, %dma_wait3A_76] : memref<10240x128xf32, #tpu.memory_space<vmem_shared>> -> memref<10240x128xf32, #tpu.memory_space<vmem_shared>>
        tpu.wait_indirect_dma semaphore(%run_scoped3A : memref<!tpu.dma_semaphore, #tpu.memory_space<semaphore_mem>>) src(%dma_wait3A_71 : memref<80x128xf32, #tpu.memory_space<vmem>>) dst(%dma_wait3A_77 : memref<10240x128xf32, #tpu.memory_space<vmem_shared>>)
        tpu.yield
      }) : () -> ()
    }
    %scan3A_28 = arith.constant 125 : i32
    %barrier3A_29 = arith.constant 0 : index
    tpu.barrier barrier_id(%barrier3A_29)
    %mul3A_30 = arith.constant 640 : i32
    %mul3A_31 = arith.muli %arg1, %mul3A_30 : i32
    %mul3A_32 = arith.constant 640 : i32
    %mul3A_33 = arith.muli %arg1, %mul3A_32 : i32
    "tpu.region"() ({
      %run_scoped3A = tpu.sem_alloc : memref<!tpu.dma_semaphore, #tpu.memory_space<semaphore_mem>>
      %dma_start3A_34 = arith.constant 0 : i32
      %dma_start3A_35 = tpu.memref_slice %arg5[%arg0, %mul3A_33, %dma_start3A_34] : memref<2x10240x128xf32, #tpu.memory_space<hbm>> -> memref<1x640x128xf32, #tpu.memory_space<hbm>>
      %dma_start3A_36 = tpu.memref_squeeze %dma_start3A_35 : memref<1x640x128xf32, #tpu.memory_space<hbm>> -> memref<640x128xf32, #tpu.memory_space<hbm>>
      %dma_start3A_37 = arith.constant 0 : i32
      %dma_start3A_38 = tpu.memref_slice %arg8[%mul3A_31, %dma_start3A_37] : memref<10240x128xf32, #tpu.memory_space<vmem_shared>> -> memref<640x128xf32, #tpu.memory_space<vmem_shared>>
      tpu.enqueue_dma source(%dma_start3A_38 : memref<640x128xf32, #tpu.memory_space<vmem_shared>>) target(%dma_start3A_36 : memref<640x128xf32, #tpu.memory_space<hbm>>) target_semaphore(%run_scoped3A : memref<!tpu.dma_semaphore, #tpu.memory_space<semaphore_mem>>)
      %dma_wait3A = arith.constant 0 : i32
      %dma_wait3A_39 = tpu.memref_slice %arg5[%arg0, %mul3A_33, %dma_wait3A] : memref<2x10240x128xf32, #tpu.memory_space<hbm>> -> memref<1x640x128xf32, #tpu.memory_space<hbm>>
      %dma_wait3A_40 = tpu.memref_squeeze %dma_wait3A_39 : memref<1x640x128xf32, #tpu.memory_space<hbm>> -> memref<640x128xf32, #tpu.memory_space<hbm>>
      %dma_wait3A_41 = arith.constant 0 : i32
      %dma_wait3A_42 = tpu.memref_slice %arg8[%mul3A_31, %dma_wait3A_41] : memref<10240x128xf32, #tpu.memory_space<vmem_shared>> -> memref<640x128xf32, #tpu.memory_space<vmem_shared>>
      tpu.wait_dma2 semaphore(%run_scoped3A : memref<!tpu.dma_semaphore, #tpu.memory_space<semaphore_mem>>) src(%dma_wait3A_42 : memref<640x128xf32, #tpu.memory_space<vmem_shared>>) dst(%dma_wait3A_40 : memref<640x128xf32, #tpu.memory_space<hbm>>)
      tpu.yield
    }) : () -> ()
    return
  }
}

module attributes {stable_mosaic.version = 14 : i64} {
  func.func @_mlp_body(%arg0: i32, %arg1: memref<10000x128xf32, #tpu.memory_space<vmem>>, %arg2: memref<10000x128xf32, #tpu.memory_space<vmem>>, %arg3: memref<128x128xf32, #tpu.memory_space<vmem>>, %arg4: memref<1x128xf32, #tpu.memory_space<vmem>>, %arg5: memref<1x128xf32, #tpu.memory_space<vmem>>, %arg6: memref<1x1xf32, #tpu.memory_space<smem>>, %arg7: memref<128x128xf32, #tpu.memory_space<vmem>>, %arg8: memref<1x128xf32, #tpu.memory_space<vmem>>, %arg9: memref<10000x128xf32, #tpu.memory_space<vmem>>) attributes {dimension_semantics = [#tpu.dimension_semantics<arbitrary>], iteration_bounds = array<i64: 32>, scalar_prefetch = 0 : i64, scratch_operands = 0 : i64, tpu.core_type = #tpu.core_type<tc>, window_params = [{transform_indices = @transform_0, window_bounds = array<i64: 10000, 128>}, {transform_indices = @transform_1, window_bounds = array<i64: 10000, 128>}, {pipeline_mode = #tpu.pipeline_mode<synchronous>, transform_indices = @transform_2, window_bounds = array<i64: 128, 128>}, {pipeline_mode = #tpu.pipeline_mode<synchronous>, transform_indices = @transform_3, window_bounds = array<i64: 1, 128>}, {pipeline_mode = #tpu.pipeline_mode<synchronous>, transform_indices = @transform_4, window_bounds = array<i64: 1, 128>}, {transform_indices = @transform_5, window_bounds = array<i64: 1, 1>}, {pipeline_mode = #tpu.pipeline_mode<synchronous>, transform_indices = @transform_6, window_bounds = array<i64: 128, 128>}, {pipeline_mode = #tpu.pipeline_mode<synchronous>, transform_indices = @transform_7, window_bounds = array<i64: 1, 128>}, {transform_indices = @transform_8, window_bounds = array<i64: 10000, 128>}]} {
    %get3A = arith.constant 0 : index
    %get3A_0 = arith.constant 0 : index
    %get3A_1 = vector.load %arg1[%get3A, %get3A_0] : memref<10000x128xf32, #tpu.memory_space<vmem>>, vector<10000x128xf32>
    %get3A_2 = arith.constant 0 : index
    %get3A_3 = arith.constant 0 : index
    %get3A_4 = vector.load %arg2[%get3A_2, %get3A_3] : memref<10000x128xf32, #tpu.memory_space<vmem>>, vector<10000x128xf32>
    %sub3A = arith.subf %get3A_4, %get3A_1 : vector<10000x128xf32>
    %get3A_5 = arith.constant 0 : index
    %get3A_6 = arith.constant 0 : index
    %get3A_7 = vector.load %arg3[%get3A_5, %get3A_6] : memref<128x128xf32, #tpu.memory_space<vmem>>, vector<128x128xf32>
    %dot_general3A = arith.constant dense<0.000000e+00> : vector<10000x128xf32>
    %dot_general3A_8 = tpu.matmul %sub3A, %get3A_7, %dot_general3A {dimension_numbers = #tpu.dot_dimension_numbers<[1], [0], [0], [1], [0, 0, 1, 1], [], []>, transpose_lhs_hint = false} : vector<10000x128xf32>, vector<128x128xf32>, vector<10000x128xf32> -> vector<10000x128xf32>
    %get3A_9 = arith.constant 0 : index
    %get3A_10 = arith.constant 0 : index
    %get3A_11 = vector.load %arg4[%get3A_9, %get3A_10] : memref<1x128xf32, #tpu.memory_space<vmem>>, vector<1x128xf32>
    %add3A = vector.broadcast %get3A_11 : vector<1x128xf32> to vector<10000x128xf32>
    %add3A_12 = arith.addf %dot_general3A_8, %add3A : vector<10000x128xf32>
    %max3A = arith.constant 0.000000e+00 : f32
    %max3A_13 = vector.broadcast %max3A : f32 to vector<10000x128xf32>
    %max3A_14 = arith.maximumf %add3A_12, %max3A_13 : vector<10000x128xf32>
    %get3A_15 = arith.constant 0 : index
    %get3A_16 = arith.constant 0 : index
    %get3A_17 = vector.load %arg5[%get3A_15, %get3A_16] : memref<1x128xf32, #tpu.memory_space<vmem>>, vector<1x128xf32>
    %mul3A = vector.broadcast %get3A_17 : vector<1x128xf32> to vector<10000x128xf32>
    %mul3A_18 = arith.mulf %max3A_14, %mul3A : vector<10000x128xf32>
    %reduce_sum3A = arith.constant dense<0.000000e+00> : vector<10000xf32>
    %reduce_sum3A_19 = vector.multi_reduction <add>, %mul3A_18, %reduce_sum3A [1] : vector<10000x128xf32> to vector<10000xf32>
    %broadcast_in_dim3A = vector.shape_cast %reduce_sum3A_19 : vector<10000xf32> to vector<10000x1xf32>
    %get3A_20 = arith.constant 0 : index
    %get3A_21 = arith.constant 0 : index
    %get3A_22 = memref.load %arg6[%get3A_20, %get3A_21] : memref<1x1xf32, #tpu.memory_space<smem>>
    %add3A_23 = vector.broadcast %get3A_22 : f32 to vector<10000x1xf32>
    %add3A_24 = arith.addf %broadcast_in_dim3A, %add3A_23 : vector<10000x1xf32>
    %logistic3A = arith.negf %add3A_24 : vector<10000x1xf32>
    %logistic3A_25 = math.exp %logistic3A : vector<10000x1xf32>
    %logistic3A_26 = arith.constant 1.000000e+00 : f32
    %logistic3A_27 = vector.broadcast %logistic3A_26 : f32 to vector<10000x1xf32>
    %logistic3A_28 = arith.addf %logistic3A_27, %logistic3A_25 : vector<10000x1xf32>
    %logistic3A_29 = arith.divf %logistic3A_27, %logistic3A_28 : vector<10000x1xf32>
    %get3A_30 = arith.constant 0 : index
    %get3A_31 = arith.constant 0 : index
    %get3A_32 = vector.load %arg7[%get3A_30, %get3A_31] : memref<128x128xf32, #tpu.memory_space<vmem>>, vector<128x128xf32>
    %dot_general3A_33 = arith.constant dense<0.000000e+00> : vector<10000x128xf32>
    %dot_general3A_34 = tpu.matmul %get3A_4, %get3A_32, %dot_general3A_33 {dimension_numbers = #tpu.dot_dimension_numbers<[1], [0], [0], [1], [0, 0, 1, 1], [], []>, transpose_lhs_hint = false} : vector<10000x128xf32>, vector<128x128xf32>, vector<10000x128xf32> -> vector<10000x128xf32>
    %mul3A_35 = vector.broadcast %logistic3A_29 : vector<10000x1xf32> to vector<10000x128xf32>
    %mul3A_36 = arith.mulf %mul3A_35, %sub3A : vector<10000x128xf32>
    %add3A_37 = arith.addf %mul3A_36, %dot_general3A_34 : vector<10000x128xf32>
    %get3A_38 = arith.constant 0 : index
    %get3A_39 = arith.constant 0 : index
    %get3A_40 = vector.load %arg8[%get3A_38, %get3A_39] : memref<1x128xf32, #tpu.memory_space<vmem>>, vector<1x128xf32>
    %add3A_41 = vector.broadcast %get3A_40 : vector<1x128xf32> to vector<10000x128xf32>
    %add3A_42 = arith.addf %add3A_37, %add3A_41 : vector<10000x128xf32>
    %swap3A = arith.constant 0 : index
    %swap3A_43 = arith.constant 0 : index
    %swap3A_44 = vector.load %arg9[%swap3A, %swap3A_43] : memref<10000x128xf32, #tpu.memory_space<vmem>>, vector<10000x128xf32>
    tpu.vector_store %arg9[%swap3A, %swap3A_43], %add3A_42 {strides = array<i32>} : memref<10000x128xf32, #tpu.memory_space<vmem>>, vector<10000x128xf32>,
    return
  }
  func.func @transform_0(%arg0: i32) -> (i32, i32) {
    %c0_i32 = arith.constant 0 : i32
    %c0_i32_0 = arith.constant 0 : i32
    return %arg0, %c0_i32 : i32, i32
  }
  func.func @transform_1(%arg0: i32) -> (i32, i32) {
    %c0_i32 = arith.constant 0 : i32
    %c0_i32_0 = arith.constant 0 : i32
    return %arg0, %c0_i32 : i32, i32
  }
  func.func @transform_2(%arg0: i32) -> (i32, i32) {
    %c0_i32 = arith.constant 0 : i32
    %c0_i32_0 = arith.constant 0 : i32
    %c0_i32_1 = arith.constant 0 : i32
    return %c0_i32, %c0_i32_0 : i32, i32
  }
  func.func @transform_3(%arg0: i32) -> (i32, i32) {
    %c0_i32 = arith.constant 0 : i32
    %c0_i32_0 = arith.constant 0 : i32
    %c0_i32_1 = arith.constant 0 : i32
    return %c0_i32, %c0_i32_0 : i32, i32
  }
  func.func @transform_4(%arg0: i32) -> (i32, i32) {
    %c0_i32 = arith.constant 0 : i32
    %c0_i32_0 = arith.constant 0 : i32
    %c0_i32_1 = arith.constant 0 : i32
    return %c0_i32, %c0_i32_0 : i32, i32
  }
  func.func @transform_5(%arg0: i32) -> (i32, i32) {
    %c0_i32 = arith.constant 0 : i32
    %c0_i32_0 = arith.constant 0 : i32
    %c0_i32_1 = arith.constant 0 : i32
    return %c0_i32, %c0_i32_0 : i32, i32
  }
  func.func @transform_6(%arg0: i32) -> (i32, i32) {
    %c0_i32 = arith.constant 0 : i32
    %c0_i32_0 = arith.constant 0 : i32
    %c0_i32_1 = arith.constant 0 : i32
    return %c0_i32, %c0_i32_0 : i32, i32
  }
  func.func @transform_7(%arg0: i32) -> (i32, i32) {
    %c0_i32 = arith.constant 0 : i32
    %c0_i32_0 = arith.constant 0 : i32
    %c0_i32_1 = arith.constant 0 : i32
    return %c0_i32, %c0_i32_0 : i32, i32
  }
  func.func @transform_8(%arg0: i32) -> (i32, i32) {
    %c0_i32 = arith.constant 0 : i32
    %c0_i32_0 = arith.constant 0 : i32
    return %arg0, %c0_i32 : i32, i32
  }
}

module attributes {stable_mosaic.version = 14 : i64} {
  func.func @_combine_body(%arg0: i32, %arg1: memref<2x1000x128xf32, #tpu.memory_space<vmem>>, %arg2: memref<1000x128xf32, #tpu.memory_space<vmem>>) attributes {dimension_semantics = [#tpu.dimension_semantics<arbitrary>], iteration_bounds = array<i64: 10>, scalar_prefetch = 0 : i64, scratch_operands = 0 : i64, tpu.core_type = #tpu.core_type<tc>, window_params = [{transform_indices = @transform_0, window_bounds = array<i64: 2, 1000, 128>}, {transform_indices = @transform_1, window_bounds = array<i64: 1000, 128>}]} {
    %get3A = arith.constant 0 : index
    %get3A_0 = arith.constant 0 : index
    %get3A_1 = arith.constant 0 : index
    %get3A_2 = vector.load %arg1[%get3A, %get3A_0, %get3A_1] : memref<2x1000x128xf32, #tpu.memory_space<vmem>>, vector<1x1000x128xf32>
    %get3A_3 = vector.shape_cast %get3A_2 : vector<1x1000x128xf32> to vector<1000x128xf32>
    %get3A_4 = arith.constant 1 : index
    %get3A_5 = arith.constant 0 : index
    %get3A_6 = arith.constant 0 : index
    %get3A_7 = vector.load %arg1[%get3A_4, %get3A_5, %get3A_6] : memref<2x1000x128xf32, #tpu.memory_space<vmem>>, vector<1x1000x128xf32>
    %get3A_8 = vector.shape_cast %get3A_7 : vector<1x1000x128xf32> to vector<1000x128xf32>
    %add3A = arith.addf %get3A_3, %get3A_8 : vector<1000x128xf32>
    %swap3A = arith.constant 0 : index
    %swap3A_9 = arith.constant 0 : index
    %swap3A_10 = vector.load %arg2[%swap3A, %swap3A_9] : memref<1000x128xf32, #tpu.memory_space<vmem>>, vector<1000x128xf32>
    tpu.vector_store %arg2[%swap3A, %swap3A_9], %add3A {strides = array<i32>} : memref<1000x128xf32, #tpu.memory_space<vmem>>, vector<1000x128xf32>,
    return
  }
  func.func @transform_0(%arg0: i32) -> (i32, i32, i32) {
    %c0_i32 = arith.constant 0 : i32
    %c0_i32_0 = arith.constant 0 : i32
    %c0_i32_1 = arith.constant 0 : i32
    return %c0_i32, %arg0, %c0_i32_0 : i32, i32, i32
  }
  func.func @transform_1(%arg0: i32) -> (i32, i32) {
    %c0_i32 = arith.constant 0 : i32
    %c0_i32_0 = arith.constant 0 : i32
    return %arg0, %c0_i32 : i32, i32
  }
}

</mosaic_0001>

<sc_bundles>
// kernel: kernel.6.cloned.1.call-start
scs
__scs_entry_jumppad:
0x0: {  	(pc) =	sbr.rel $0x88, $3  }
0x1: {  	(tag) =	ssettag $0x0;
	lr =	simm.s32 $0x1  }
0x2: {  	[smem:$0x3F99] =	sst lr;
	_ =	strace $0xD0000000  }
0x3: {  	_ = 	snop  }
0x4: {  	_ = 	snop  }
0x5: {  	_ = 	snop  }
0x6: {  	_ = 	snop  }
0x7: {  	_ = 	snop  }
__scs_overlays_trampoline_lowered:
0x8: {  	[smem:$0x3FA8] =	sst s0  }
0x9: {  	[smem:$0x3FA9] =	sst s1  }
0xa: {  	[smem:$0x3FAA] =	sst s2  }
0xb: {  	[smem:$0x3FAB] =	sst s3  }
0xc: {  	[smem:$0x3FAC] =	sst s4  }
0xd: {  	[smem:$0x3FAD] =	sst s5  }
0xe: {  	[smem:$0x3FAE] =	sst s6  }
0xf: {  	[smem:$0x3FAF] =	sst s7  }
0x10: {  	[smem:$0x3FB0] =	sst s8  }
0x11: {  	[smem:$0x3FB1] =	sst s9;
	s0 =	simm.s32 @!p0 $0x0  }
0x12: {  	s1 =	sld [smem:$0x3F97];
	s0 =	simm.s32 @p0 $0x1  }
0x13: {  	[smem:$0x3FB2] =	sst s0;
	s0 =	simm.s32 @!p1 $0x0  }
0x14: {  	s2 =	sld [smem:$0x3F96];
	s0 =	simm.s32 @p1 $0x1  }
0x15: {  	[smem:$0x3FB3] =	sst s0;
	s0 =	simm.s32 @!p2 $0x0  }
0x16: {  	s3 =	sld [smem:$0x3FDB];
	s0 =	simm.s32 @p2 $0x1  }
0x17: {  	s4 =	simm.s32 $0x1BF5;
	[smem:$0x3FB5] =	sst s0  }
0x18: {  	s0 =	sld [smem:$0x3F98];
	_ =	swait.ge [sflag:s4], $0x0  }
0x19: {  	s7 =	sld [smem:$0x3F99]  }
0x1a: {  	s8 =	sadd.s32 $0xFFFFE003, lr  }
0x1b: {  	s9 =	sadd.s32 $0xFFFFFEF7, lr;
	s5 =	simm.s32 $0xFFFFFFFF;
	p2 =	slt.u32 s8, $0xFFFFF086  }
0x1c: {  	p1 =	slt.u32 s9, $0xF7A;
	s5 =	simm.s32 @!p2 $0x0  }
0x1d: {  	s5 =	simm.s32 @p1 $0x1;
	p0 =	seq.s32 s7, s2  }
0x1e: {  	s7 =	smul.u32 @!p0 $0xF7A, s2;
	p2 =	seq.s32 @!p0 s5, $0x0  }
0x1f: {  	s9 =	smul.u32 $0xF7A, s1;
	s8 =	simm.s32 @!p0 $0x1BF5;
	p2 =	por !p2, p0  }
0x20: {  	[sflag:s8] =	ssyncset.s32 @!p0 $0xFFFFF086;
	s6 =	sadd.s32 @!p0 s3, s7;
	s7 =	simm.s32 @!p0 $0x108  }
0x21: {  	s3 =	sadd.s32 s3, s9;
	s6 =	sadd.s32 @!p0 $0x88, s6;
	s7 =	simm.s32 @p2 $0x1082  }
0x22: {  	[simem:s7], [sflag:s8] =	dma.local @!p0 [hbm:s6], $0xF7A  }
0x23: {  	s9 =	sor.u32 $0xD0000000, s2;
	s6 =	simm.s32 $0x108;
	_ =	swait.ge @!p0 [sflag:s8], $0x0  }
0x24: {  	s3 =	sadd.s32 $0x88, s3;
	s6 =	simm.s32 @!p1 $0x1082;
	[sflag:s4] =	ssyncset.s32 $0xFFFFF086  }
0x25: {  	[simem:s6], [sflag:s4] =	dma.local [hbm:s3], $0xF7A  }
0x26: {  	[smem:$0x3F99] =	sst s1;
	(tag) =	ssettag s2;
	_ =	strace s9  }
0x27: {  	s1 =	sld [smem:$0x3FA9]  }
0x28: {  	s2 =	sld [smem:$0x3FAA]  }
0x29: {  	s4 =	sld [smem:$0x3FAC]  }
0x2a: {  	p0 =	seq.s32 s5, $0x0;
	s5 =	sld [smem:$0x3FAD]  }
0x2b: {  	s6 =	sld [smem:$0x3FAE]  }
0x2c: {  	s7 =	sld [smem:$0x3FAF]  }
0x2d: {  	s3 =	simm.s32 $0x108;
	s8 =	sld [smem:$0x3FB0]  }
0x2e: {  	s3 =	simm.s32 @!p0 $0x1082;
	s9 =	sld [smem:$0x3FB1]  }
0x2f: {  	lr =	sadd.s32 s0, s3;
	s0 =	sld [smem:$0x3FA8]  }
0x30: {  	s3 =	sld [smem:$0x3FAB]  }
0x31: {  	[smem:$0x3FB4] =	sst s10  }
0x32: {  	s10 =	sld [smem:$0x3FB2];
	_ =	sdelay $0x3  }
0x33: {  	p0 =	seq.s32 s10, $0x1;
	s10 =	sld [smem:$0x3FB4];
	_ =	sdelay $0x3  }
0x34: {  	[smem:$0x3FB4] =	sst s10  }
0x35: {  	s10 =	sld [smem:$0x3FB3];
	_ =	sdelay $0x3  }
0x36: {  	p1 =	seq.s32 s10, $0x1;
	s10 =	sld [smem:$0x3FB4];
	_ =	sdelay $0x3  }
0x37: {  	[smem:$0x3FB4] =	sst s10  }
0x38: {  	s10 =	sld [smem:$0x3FB5]  }
0x39: {  	_ = 	snop;
	(pc) =	sbr.ind lr, $3  }
0x3a: {  	_ = 	snop  }
0x3b: {  	_ = 	snop  }
0x3c: {  	p2 =	seq.s32 s10, $0x1;
	s10 =	sld [smem:$0x3FB4]  }
0x3d: {  	_ =	shalt  }
0x3e: {  	_ =	shalt  }
0x3f: {  	_ =	shalt  }
0x40: {  	_ =	shalt  }
0x41: {  	_ =	shalt  }
0x42: {  	_ =	shalt  }
0x43: {  	_ =	shalt  }
0x44: {  	_ =	shalt  }
0x45: {  	_ =	shalt  }
0x46: {  	_ =	shalt  }
0x47: {  	_ =	shalt  }
0x48: {  	_ =	shalt  }
0x49: {  	_ =	shalt  }
0x4a: {  	_ =	shalt  }
0x4b: {  	_ =	shalt  }
0x4c: {  	_ =	shalt  }
0x4d: {  	_ =	shalt  }
0x4e: {  	_ =	shalt  }
0x4f: {  	_ =	shalt  }
0x50: {  	_ =	shalt  }
0x51: {  	_ =	shalt  }
0x52: {  	_ =	shalt  }
0x53: {  	_ =	shalt  }
0x54: {  	_ =	shalt  }
0x55: {  	_ =	shalt  }
0x56: {  	_ =	shalt  }
0x57: {  	_ =	shalt  }
0x58: {  	_ =	shalt  }
0x59: {  	_ =	shalt  }
0x5a: {  	_ =	shalt  }
0x5b: {  	_ =	shalt  }
0x5c: {  	_ =	shalt  }
0x5d: {  	_ =	shalt  }
0x5e: {  	_ =	shalt  }
0x5f: {  	_ =	shalt  }
0x60: {  	_ =	shalt  }
0x61: {  	_ =	shalt  }
0x62: {  	_ =	shalt  }
0x63: {  	_ =	shalt  }
0x64: {  	_ =	shalt  }
0x65: {  	_ =	shalt  }
0x66: {  	_ =	shalt  }
0x67: {  	_ =	shalt  }
0x68: {  	_ =	shalt  }
0x69: {  	_ =	shalt  }
0x6a: {  	_ =	shalt  }
0x6b: {  	_ =	shalt  }
0x6c: {  	_ =	shalt  }
0x6d: {  	_ =	shalt  }
0x6e: {  	_ =	shalt  }
0x6f: {  	_ =	shalt  }
0x70: {  	_ =	shalt  }
0x71: {  	_ =	shalt  }
0x72: {  	_ =	shalt  }
0x73: {  	_ =	shalt  }
0x74: {  	_ =	shalt  }
0x75: {  	_ =	shalt  }
0x76: {  	_ =	shalt  }
0x77: {  	_ =	shalt  }
0x78: {  	_ =	shalt  }
0x79: {  	_ =	shalt  }
0x7a: {  	_ =	shalt  }
0x7b: {  	_ =	shalt  }
0x7c: {  	_ =	shalt  }
0x7d: {  	_ =	shalt  }
0x7e: {  	_ =	shalt  }
0x7f: {  	_ =	shalt  }
0x80: {  	_ =	shalt  }
0x81: {  	_ =	shalt  }
0x82: {  	_ =	shalt  }
0x83: {  	_ =	shalt  }
0x84: {  	_ =	shalt  }
0x85: {  	_ =	shalt  }
0x86: {  	_ =	shalt  }
0x87: {  	_ =	shalt  }
.Lfunc_end0:
.L_simem_size_0:
called_computation_lowered:
.L_overlay_start_0:
0x88: {  	s2 =	sld [smem:$0x3FD9]  }
0x89: {  	s3 =	sld [smem:$0x3FFE];
	_ =	sdelay $0x1  }
0x8a: {  	s1 =	srdreg.scid  }
0x8b: {  	s0 =	sand.u32 $0x1, s1  }
0x8c: {  	s17 =	sshll.u32 s0, $0xA;
	s2 =	sadd.s32 s3, s2  }
0x8d: {  	s2 =	sadd.s32 s2, s17  }
0x8e: {  	[smem:$0x3FC0] =	sst s2  }
0x8f: {  	_ = 	snop  }
0x90: {  	s2 =	sld [smem:$0x3FC9]  }
0x91: {  	s18 =	sld [smem:$0x3FD0];
	(tm) =	ssettm $0x1  }
0x92: {  	s4 =	sld [smem:$0x3FFB];
	_ =	sdelay $0x3  }
0x93: {  	_ =	strace s4  }
0x94: {  	s4 =	sld [smem:$0x3FFC];
	_ =	sdelay $0x3  }
0x95: {  	_ =	strace s4  }
0x96: {  	s4 =	sld [smem:$0x3FFD];
	_ =	sdelay $0x3  }
0x97: {  	_ =	strace s4  }
0x98: {  	_ =	strace $0x8FFFFFFF  }
0x99: {  	s19 =	sld [smem:$0x3FDB];
	_ =	sdelay $0x1  }
0x9a: {  	s5 =	simm.s32 $_scs_section_size  }
0x9b: {  	s6 =	simm.s32 $_size__tile_overlayer_lowered;
	s7 =	simm.s32 $_tile_overlayer_lowered  }
0x9c: {  	s22 =	simm.s32 $0x1BFF;
	s21 =	sshll.u32 s7, $0x1;
	s4 =	sadd.s32 s5, s19  }
0x9d: {  	s8 =	simm.s32 $0x0;
	s20 =	sshll.u32 s6, $0x1;
	s6 =	sadd.s32 s21, s4  }
0x9e: {  	[timem:s8], [sflag:s22] =	dma.local [hbm:s6], s20  }
0x9f: {  	_ =	swait.ge [sflag:s22], s20  }
0xa0: {  	s5 =	ssub.s32 $0x0, s20;
	[sflag:s22] =	ssyncset.done $0x0  }
0xa1: {  	[sflag:s22] =	ssyncadd.s32 s5;
	_ =	sdelay $0x1  }
0xa2: {  	s23 =	simm.s32 $0x1B8B  }
0xa3: {  	_ =	swait.ge [sflag:s23], $0x1  }
0xa4: {  	[sflag:s23] =	ssyncset.done $0x0  }
0xa5: {  	s25 =	simm.s32 $0x1B8E;
	s24 =	sld [smem:$0x3FFE];
	[sflag:s23] =	ssyncadd.s32 $0xFFFFFFFF  }
0xa6: {  	s26 =	simm.s32 $execute0_lowered;
	[smem:$0x3FD2] =	sst s25  }
0xa7: {  	s6 =	sshll.u32 s26, $0x1;
	_ =	strace $0x80000046;
	[dreg:$0x1] =	wrdreg $0xFFFFFFFF  }
0xa8: {  	s28 =	simm.s32 $_size_execute0_lowered;
	s4 =	sadd.s32 s4, s6;
	[dreg:$0x0] =	wrdreg $0x0  }
0xa9: {  	s6 =	sshll.u32 s28, $0x1;
	[dreg:$0x2] =	wrdreg s4  }
0xaa: {  	[dreg:$0x3] =	wrdreg s6  }
0xab: {  	[dreg:$0x4] =	wrdreg $0xC0  }
0xac: {  	_ =	task [dreg:s8], $0x5FFFF  }
0xad: {  	[dreg:$0x1] =	wrdreg $0xFFFFFFFF  }
0xae: {  	[dreg:$0x0] =	wrdreg $0x60  }
0xaf: {  	[dreg:$0x2] =	wrdreg s2  }
0xb0: {  	[dreg:$0x3] =	wrdreg s18  }
0xb1: {  	[dreg:$0x4] =	wrdreg s24  }
0xb2: {  	[dreg:$0x5] =	wrdreg $0x9  }
0xb3: {  	_ =	task.clear_ibuf [dreg:s8], $0x6FFFF;
	_ =	strace $0x90000046  }
0xb4: {  	s29 =	simm.s32 $0x9;
	_ =	strace $0x80000048  }
0xb5: {  	_ =	swait.ge [sflag:s29], $0x1  }
0xb6: {  	[sflag:s29] =	ssyncadd.s32 $0xFFFFFFFF  }
0xb7: {  	_ =	strace $0x90000048  }
0xb8: {  	_ =	sfence  }
0xb9: {  	s30 =	sld [smem:$0x0];
	_ =	sdelay $0x2  }
0xba: {  	s31 =	sshll.u32 s1, $0xD;
	s1 =	sshrl.u32 s1, $0x2  }
0xbb: {  	s3 =	sand.u32 $0x4000, s31;
	s1 =	sadd.s32 s1, s30  }
0xbc: {  	s0 =	sor.u32 s3, s0;
	s1 =	sshll.u32 s1, $0x11  }
0xbd: {  	s0 =	sor.u32 s1, s0  }
0xbe: {  	s0 =	sadd.s32 $0x8F2B, s0  }
0xbf: {  	[sflag:s0] =	ssyncadd.remote.s32 $0x1  }
0xc0: {  	_ =	sfence.sel $0xFFFF  }
0xc1: {  	[dreg:$0x0] =	wrdreg $0xFFFFFFFF;
	(pc) =	sbr.abs _section_cstart, $3  }
0xc2: {  	[dreg:$0x1] =	wrdreg $0xFFFFFFFF  }
0xc3: {  	_ =	task.clear_ibuf [dreg:s8], $0x2FFFF;
	_ =	strace $0x9FFFFFFF  }
0xc4: {  	(tm) =	ssettm $0x7FFFFFFF  }
0xc5: {  	_ =	shalt  }
tec
execute0_lowered:
.L_overlay_start_1:
0x0: {  	(tag) =	ssettag $0x1  }
0x1: {  	s1 =	rddreg [dreg:$0x0]  }
0x2: {  	s4 =	rddreg [dreg:$0x1]  }
0x3: {  	s5 =	rddreg [dreg:$0x2]  }
0x4: {  	s0 =	rddreg [dreg:$0x3];
	s3 =	simm.s32 $0x0;
	s6 =	srdreg.scid  }
0x5: {  	s2 =	stileid.u32;
	s13 =	simm.s32 $0x1;
	s14 =	simm.s32 $0xA800  }
0x6: {  	s15 =	simm.s32 $0x0;
	[smem:$0x7FF] =	sst s3;
	s6 =	sand.u32 $0x1, s6  }
0x7: {  	s7 =	sshll.u32 s2, $0xC;
	s30 =	smul.u32 $0x4E200, s2;
	_ =	strace $0x80000047  }
0x8: {  	s8 =	sshll.u32 s6, $0xB;
	s9 =	ssub.s32 $0x2, s6;
	s12 =	smul.u32 $0x27100, s6  }
0x9: {  	s7 =	sor.u32 s8, s7;
	s11 =	sshrl.u32 s9, $0x1;
	s8 =	sadd.s32 s30, s5  }
0xa: {  	s10 =	sadd.s32 s7, s5;
	s31 =	ssub.s32 s9, s11;
	s4 =	sadd.s32 s4, s7  }
0xb: {  	s8 =	sadd.s32 s12, s8;
	s9 =	simm.s32 $0x2;
	s11 =	simm.s32 $0x50  }
0xc: {  	s12 =	simm.s32 $0x8000;
	s5 =	sadd.s32 $0x1000, s10;
	s6 =	smax.u32 s31, $0x1  }
0xd: {  	s7 =	sadd.s32 $0x11000, s8;
	s8 =	sadd.s32 $0x4F3000, s8;
	s10 =	simm.s32 $0x4000  }
.LBB2_1:
0xe: {  	[tilespmem:s3], [sflag:$0x2] =	stream.linear.gather [hbm4b:s4+s3], $0x3E80, $0x38;
	[tilespmem:$0xD000] =	vst v63  }
0xf: {  	_ =	swait.ge [sflag:s9], $0x3E80  }
0x10: {  	[sflag:s9] =	ssyncset.done $0x0  }
0x11: {  	[sflag:s9] =	ssyncadd.s32 $0xFFFFC180  }
0x12: {  	[tilespmem:s10], [sflag:$0x2] =	stream.linear.gather [hbm4b:s5+s3], $0x3E80, $0x38;
	[tilespmem:$0xD000] =	vst v63  }
0x13: {  	_ =	swait.ge [sflag:s9], $0x3E80  }
0x14: {  	[sflag:s9] =	ssyncset.done $0x0  }
0x15: {  	s16 =	simm.s32 $0x0;
	[sflag:s9] =	ssyncadd.s32 $0xFFFFC180  }
0x16: {  	[tilespmem:s12], [sflag:$0x1] =	stream.indirect.gather [hbm4b:s1+s11], $0x80, s16, s11, $0xb8;
	[tilespmem:$0xD000] =	vst v63  }
0x17: {  	_ =	swait.ge [sflag:s13], $0x2800  }
0x18: {  	[sflag:s13] =	ssyncset.done $0x0  }
0x19: {  	s31 =	simm.s32 $0x4000;
	[sflag:s13] =	ssyncadd.s32 $0xFFFFD800  }
0x1a: {  	[tilespmem:s14], [sflag:$0x1] =	stream.indirect.gather [hbm4b:s1+s11], $0x80, s31, s11, $0xb8;
	[tilespmem:$0xD000] =	vst v63  }
0x1b: {  	_ =	swait.ge [sflag:s13], $0x2800  }
0x1c: {  	[sflag:s13] =	ssyncset.done $0x0  }
0x1d: {  	[sflag:s13] =	ssyncadd.s32 $0xFFFFD800  }
0x1e: {  	[hbm4b:s7+s3] =	stream.linear.scatter [tilespmem:s12], [sflag:$0x2], $0x2800, $0x38;
	[tilespmem:$0xD000] =	vst v63  }
0x1f: {  	_ =	swait.ge [sflag:s9], $0x2800  }
0x20: {  	[sflag:s9] =	ssyncset.done $0x0  }
0x21: {  	[sflag:s9] =	ssyncadd.s32 $0xFFFFD800  }
0x22: {  	[hbm4b:s8+s3] =	stream.linear.scatter [tilespmem:s14], [sflag:$0x2], $0x2800, $0x38;
	[tilespmem:$0xD000] =	vst v63  }
0x23: {  	s18 =	simm.s32 $0x200;
	s19 =	simm.s32 $0x400;
	_ =	swait.ge [sflag:s9], $0x2800  }
0x24: {  	s17 =	sadd.s32 $0x500, s7;
	s16 =	sadd.s32 $0x500, s8;
	[sflag:s9] =	ssyncset.done $0x0  }
.LBB2_2:
0x25: {  	s20 =	sshra.s32 s18, $0x2  }
0x26: {  	[sflag:s9] =	ssyncadd.s32 $0xFFFFD800;
	s18 =	smov.u32 s19;
	s21 =	sadd.s32 $0x200, s19  }
0x27: {  	[tilespmem:s12], [sflag:$0x1] =	stream.indirect.gather [hbm4b:s1+s11], $0x80, s20, s11, $0xb8;
	[tilespmem:$0xD000] =	vst v63  }
0x28: {  	p0 =	sne.s32 s19, $0xF800;
	_ =	swait.ge [sflag:s13], $0x2800  }
0x29: {  	[sflag:s13] =	ssyncset.done $0x0  }
0x2a: {  	s19 =	sadd.s32 $0x4000, s20;
	[sflag:s13] =	ssyncadd.s32 $0xFFFFD800  }
0x2b: {  	[tilespmem:s14], [sflag:$0x1] =	stream.indirect.gather [hbm4b:s1+s11], $0x80, s19, s11, $0xb8;
	[tilespmem:$0xD000] =	vst v63  }
0x2c: {  	_ =	swait.ge [sflag:s13], $0x2800  }
0x2d: {  	[sflag:s13] =	ssyncset.done $0x0  }
0x2e: {  	[sflag:s13] =	ssyncadd.s32 $0xFFFFD800  }
0x2f: {  	[hbm4b:s17+s3] =	stream.linear.scatter [tilespmem:s12], [sflag:$0x2], $0x2800, $0x38;
	[tilespmem:$0xD000] =	vst v63  }
0x30: {  	_ =	swait.ge [sflag:s9], $0x2800  }
.Ltmp0:
0x31: {  	[sflag:s9] =	ssyncset.done $0x0;
	(pc) =	sbr.rel @p0 .LBB2_2-.Ltmp0, $4  }
0x32: {  	[sflag:s9] =	ssyncadd.s32 $0xFFFFD800  }
0x33: {  	[hbm4b:s16+s3] =	stream.linear.scatter [tilespmem:s14], [sflag:$0x2], $0x2800, $0x38;
	[tilespmem:$0xD000] =	vst v63  }
0x34: {  	s19 =	smov.u32 s21;
	_ =	swait.ge [sflag:s9], $0x2800  }
0x35: {  	s17 =	sadd.s32 $0x500, s17;
	s16 =	sadd.s32 $0x500, s16;
	[sflag:s9] =	ssyncset.done $0x0  }
0x36: {  	s18 =	sshra.s32 s18, $0x2;
	[sflag:s9] =	ssyncadd.s32 $0xFFFFD800  }
0x37: {  	[tilespmem:s12], [sflag:$0x1] =	stream.indirect.gather [hbm4b:s1+s11], $0x80, s18, s11, $0xb8;
	[tilespmem:$0xD000] =	vst v63  }
0x38: {  	_ =	swait.ge [sflag:s13], $0x2800  }
0x39: {  	[sflag:s13] =	ssyncset.done $0x0  }
0x3a: {  	s18 =	sadd.s32 $0x4000, s18;
	[sflag:s13] =	ssyncadd.s32 $0xFFFFD800  }
0x3b: {  	[tilespmem:s14], [sflag:$0x1] =	stream.indirect.gather [hbm4b:s1+s11], $0x80, s18, s11, $0xb8;
	[tilespmem:$0xD000] =	vst v63  }
0x3c: {  	_ =	swait.ge [sflag:s13], $0x2800  }
0x3d: {  	[sflag:s13] =	ssyncset.done $0x0  }
0x3e: {  	[sflag:s13] =	ssyncadd.s32 $0xFFFFD800  }
0x3f: {  	[hbm4b:s17+s3] =	stream.linear.scatter [tilespmem:s12], [sflag:$0x2], $0x2800, $0x38;
	[tilespmem:$0xD000] =	vst v63  }
0x40: {  	s15 =	sadd.s32 $0x1, s15;
	_ =	swait.ge [sflag:s9], $0x2800  }
0x41: {  	p0 =	sne.s32 s15, s6;
	[sflag:s9] =	ssyncset.done $0x0  }
.Ltmp1:
0x42: {  	[sflag:s9] =	ssyncadd.s32 $0xFFFFD800;
	(pc) =	sbr.rel @p0 .LBB2_1-.Ltmp1, $4  }
0x43: {  	[hbm4b:s16+s3] =	stream.linear.scatter [tilespmem:s14], [sflag:$0x2], $0x2800, $0x38;
	[tilespmem:$0xD000] =	vst v63  }
0x44: {  	_ =	swait.ge [sflag:s9], $0x2800  }
0x45: {  	[sflag:s9] =	ssyncset.done $0x0  }
0x46: {  	[sflag:s9] =	ssyncadd.s32 $0xFFFFD800  }
0x47: {  	_ =	sfence.sel $0x180000  }
0x48: {  	[bflag:$0x0] =	sbarrier.arrive $0xFFFF  }
0x49: {  	p0 =	sne.s32 s2, $0x0;
	_ =	strace $0x90000047  }
0x4a: {  	s0 =	sadd.s32 @!p0 $0x100000, s0;
	[bflag:$0x2] =	sbarrier.arrive $0xFFFF  }
0x4b: {  	[sflag:s0] =	ssyncadd.tile.s32 @!p0 $0x1;
	_ =	shalt  }
.Lfunc_end2:
_tile_overlayer_lowered:
.L_overlay_start_2:
0x4c: {  	(tag) =	ssettag $0x2  }
0x4d: {  	s0 =	rddreg [dreg:$0x0];
	s2 =	stileid.u32  }
0x4e: {  	s1 =	rddreg [dreg:$0x1];
	p0 =	sne.s32 s2, $0x0  }
0x4f: {  	s3 =	rddreg [dreg:$0x2];
	[bflag:$0x3] =	sbarrier.arrive $0xFFFF;
	s2 =	simm.s32 @!p0 $0x1C02  }
0x50: {  	[timem:s3], [sflag:s2] =	dma.local @!p0 [hbm:s0], s1  }
0x51: {  	s0 =	simm.s32 @!p0 $0x2  }
0x52: {  	_ =	swait.ge @!p0 [sflag:s0], s1  }
0x53: {  	s1 =	ssub.s32 @!p0 $0x0, s1;
	[sflag:s0] =	ssyncset.done @!p0 $0x0  }
0x54: {  	[sflag:s0] =	ssyncadd.s32 @!p0 s1  }
0x55: {  	[bflag:$0x3] =	sbarrier.arrive $0xFFFF  }
0x56: {  	_ =	shalt  }

// kernel: kernel.9.cloned.1.call-start
scs
__scs_entry_jumppad:
0x0: {  	(pc) =	sbr.rel $0x88, $3  }
0x1: {  	(tag) =	ssettag $0x0;
	lr =	simm.s32 $0x1  }
0x2: {  	[smem:$0x3F99] =	sst lr;
	_ =	strace $0xD0000000  }
0x3: {  	_ = 	snop  }
0x4: {  	_ = 	snop  }
0x5: {  	_ = 	snop  }
0x6: {  	_ = 	snop  }
0x7: {  	_ = 	snop  }
__scs_overlays_trampoline_lowered:
0x8: {  	[smem:$0x3FA8] =	sst s0  }
0x9: {  	[smem:$0x3FA9] =	sst s1  }
0xa: {  	[smem:$0x3FAA] =	sst s2  }
0xb: {  	[smem:$0x3FAB] =	sst s3  }
0xc: {  	[smem:$0x3FAC] =	sst s4  }
0xd: {  	[smem:$0x3FAD] =	sst s5  }
0xe: {  	[smem:$0x3FAE] =	sst s6  }
0xf: {  	[smem:$0x3FAF] =	sst s7  }
0x10: {  	[smem:$0x3FB0] =	sst s8  }
0x11: {  	[smem:$0x3FB1] =	sst s9;
	s0 =	simm.s32 @!p0 $0x0  }
0x12: {  	s1 =	sld [smem:$0x3F97];
	s0 =	simm.s32 @p0 $0x1  }
0x13: {  	[smem:$0x3FB2] =	sst s0;
	s0 =	simm.s32 @!p1 $0x0  }
0x14: {  	s2 =	sld [smem:$0x3F96];
	s0 =	simm.s32 @p1 $0x1  }
0x15: {  	[smem:$0x3FB3] =	sst s0;
	s0 =	simm.s32 @!p2 $0x0  }
0x16: {  	s3 =	sld [smem:$0x3FDB];
	s0 =	simm.s32 @p2 $0x1  }
0x17: {  	s4 =	simm.s32 $0x1BF5;
	[smem:$0x3FB5] =	sst s0  }
0x18: {  	s0 =	sld [smem:$0x3F98];
	_ =	swait.ge [sflag:s4], $0x0  }
0x19: {  	s7 =	sld [smem:$0x3F99]  }
0x1a: {  	s8 =	sadd.s32 $0xFFFFE003, lr  }
0x1b: {  	s9 =	sadd.s32 $0xFFFFFEF7, lr;
	s5 =	simm.s32 $0xFFFFFFFF;
	p2 =	slt.u32 s8, $0xFFFFF086  }
0x1c: {  	p1 =	slt.u32 s9, $0xF7A;
	s5 =	simm.s32 @!p2 $0x0  }
0x1d: {  	s5 =	simm.s32 @p1 $0x1;
	p0 =	seq.s32 s7, s2  }
0x1e: {  	s7 =	smul.u32 @!p0 $0xF7A, s2;
	p2 =	seq.s32 @!p0 s5, $0x0  }
0x1f: {  	s9 =	smul.u32 $0xF7A, s1;
	s8 =	simm.s32 @!p0 $0x1BF5;
	p2 =	por !p2, p0  }
0x20: {  	[sflag:s8] =	ssyncset.s32 @!p0 $0xFFFFF086;
	s6 =	sadd.s32 @!p0 s3, s7;
	s7 =	simm.s32 @!p0 $0x108  }
0x21: {  	s3 =	sadd.s32 s3, s9;
	s6 =	sadd.s32 @!p0 $0x88, s6;
	s7 =	simm.s32 @p2 $0x1082  }
0x22: {  	[simem:s7], [sflag:s8] =	dma.local @!p0 [hbm:s6], $0xF7A  }
0x23: {  	s9 =	sor.u32 $0xD0000000, s2;
	s6 =	simm.s32 $0x108;
	_ =	swait.ge @!p0 [sflag:s8], $0x0  }
0x24: {  	s3 =	sadd.s32 $0x88, s3;
	s6 =	simm.s32 @!p1 $0x1082;
	[sflag:s4] =	ssyncset.s32 $0xFFFFF086  }
0x25: {  	[simem:s6], [sflag:s4] =	dma.local [hbm:s3], $0xF7A  }
0x26: {  	[smem:$0x3F99] =	sst s1;
	(tag) =	ssettag s2;
	_ =	strace s9  }
0x27: {  	s1 =	sld [smem:$0x3FA9]  }
0x28: {  	s2 =	sld [smem:$0x3FAA]  }
0x29: {  	s4 =	sld [smem:$0x3FAC]  }
0x2a: {  	p0 =	seq.s32 s5, $0x0;
	s5 =	sld [smem:$0x3FAD]  }
0x2b: {  	s6 =	sld [smem:$0x3FAE]  }
0x2c: {  	s7 =	sld [smem:$0x3FAF]  }
0x2d: {  	s3 =	simm.s32 $0x108;
	s8 =	sld [smem:$0x3FB0]  }
0x2e: {  	s3 =	simm.s32 @!p0 $0x1082;
	s9 =	sld [smem:$0x3FB1]  }
0x2f: {  	lr =	sadd.s32 s0, s3;
	s0 =	sld [smem:$0x3FA8]  }
0x30: {  	s3 =	sld [smem:$0x3FAB]  }
0x31: {  	[smem:$0x3FB4] =	sst s10  }
0x32: {  	s10 =	sld [smem:$0x3FB2];
	_ =	sdelay $0x3  }
0x33: {  	p0 =	seq.s32 s10, $0x1;
	s10 =	sld [smem:$0x3FB4];
	_ =	sdelay $0x3  }
0x34: {  	[smem:$0x3FB4] =	sst s10  }
0x35: {  	s10 =	sld [smem:$0x3FB3];
	_ =	sdelay $0x3  }
0x36: {  	p1 =	seq.s32 s10, $0x1;
	s10 =	sld [smem:$0x3FB4];
	_ =	sdelay $0x3  }
0x37: {  	[smem:$0x3FB4] =	sst s10  }
0x38: {  	s10 =	sld [smem:$0x3FB5]  }
0x39: {  	_ = 	snop;
	(pc) =	sbr.ind lr, $3  }
0x3a: {  	_ = 	snop  }
0x3b: {  	_ = 	snop  }
0x3c: {  	p2 =	seq.s32 s10, $0x1;
	s10 =	sld [smem:$0x3FB4]  }
0x3d: {  	_ =	shalt  }
0x3e: {  	_ =	shalt  }
0x3f: {  	_ =	shalt  }
0x40: {  	_ =	shalt  }
0x41: {  	_ =	shalt  }
0x42: {  	_ =	shalt  }
0x43: {  	_ =	shalt  }
0x44: {  	_ =	shalt  }
0x45: {  	_ =	shalt  }
0x46: {  	_ =	shalt  }
0x47: {  	_ =	shalt  }
0x48: {  	_ =	shalt  }
0x49: {  	_ =	shalt  }
0x4a: {  	_ =	shalt  }
0x4b: {  	_ =	shalt  }
0x4c: {  	_ =	shalt  }
0x4d: {  	_ =	shalt  }
0x4e: {  	_ =	shalt  }
0x4f: {  	_ =	shalt  }
0x50: {  	_ =	shalt  }
0x51: {  	_ =	shalt  }
0x52: {  	_ =	shalt  }
0x53: {  	_ =	shalt  }
0x54: {  	_ =	shalt  }
0x55: {  	_ =	shalt  }
0x56: {  	_ =	shalt  }
0x57: {  	_ =	shalt  }
0x58: {  	_ =	shalt  }
0x59: {  	_ =	shalt  }
0x5a: {  	_ =	shalt  }
0x5b: {  	_ =	shalt  }
0x5c: {  	_ =	shalt  }
0x5d: {  	_ =	shalt  }
0x5e: {  	_ =	shalt  }
0x5f: {  	_ =	shalt  }
0x60: {  	_ =	shalt  }
0x61: {  	_ =	shalt  }
0x62: {  	_ =	shalt  }
0x63: {  	_ =	shalt  }
0x64: {  	_ =	shalt  }
0x65: {  	_ =	shalt  }
0x66: {  	_ =	shalt  }
0x67: {  	_ =	shalt  }
0x68: {  	_ =	shalt  }
0x69: {  	_ =	shalt  }
0x6a: {  	_ =	shalt  }
0x6b: {  	_ =	shalt  }
0x6c: {  	_ =	shalt  }
0x6d: {  	_ =	shalt  }
0x6e: {  	_ =	shalt  }
0x6f: {  	_ =	shalt  }
0x70: {  	_ =	shalt  }
0x71: {  	_ =	shalt  }
0x72: {  	_ =	shalt  }
0x73: {  	_ =	shalt  }
0x74: {  	_ =	shalt  }
0x75: {  	_ =	shalt  }
0x76: {  	_ =	shalt  }
0x77: {  	_ =	shalt  }
0x78: {  	_ =	shalt  }
0x79: {  	_ =	shalt  }
0x7a: {  	_ =	shalt  }
0x7b: {  	_ =	shalt  }
0x7c: {  	_ =	shalt  }
0x7d: {  	_ =	shalt  }
0x7e: {  	_ =	shalt  }
0x7f: {  	_ =	shalt  }
0x80: {  	_ =	shalt  }
0x81: {  	_ =	shalt  }
0x82: {  	_ =	shalt  }
0x83: {  	_ =	shalt  }
0x84: {  	_ =	shalt  }
0x85: {  	_ =	shalt  }
0x86: {  	_ =	shalt  }
0x87: {  	_ =	shalt  }
.Lfunc_end0:
.L_simem_size_0:
called_computation.1_lowered:
.L_overlay_start_0:
0x88: {  	s2 =	sld [smem:$0x3FD9]  }
0x89: {  	s3 =	sld [smem:$0x3FFE];
	_ =	sdelay $0x1  }
0x8a: {  	s1 =	srdreg.scid  }
0x8b: {  	s0 =	sand.u32 $0x1, s1  }
0x8c: {  	s16 =	sshll.u32 s0, $0xA;
	s2 =	sadd.s32 s3, s2  }
0x8d: {  	s2 =	sadd.s32 s2, s16  }
0x8e: {  	[smem:$0x3FC0] =	sst s2  }
0x8f: {  	_ = 	snop  }
0x90: {  	(tm) =	ssettm $0x1  }
0x91: {  	s17 =	sld [smem:$0x3FFB];
	_ =	sdelay $0x3  }
0x92: {  	_ =	strace s17  }
0x93: {  	s2 =	sld [smem:$0x3FFC];
	_ =	sdelay $0x3  }
0x94: {  	_ =	strace s2  }
0x95: {  	s2 =	sld [smem:$0x3FFD];
	_ =	sdelay $0x3  }
0x96: {  	_ =	strace s2  }
0x97: {  	_ =	strace $0x8FFFFFFF  }
0x98: {  	s18 =	sld [smem:$0x3FDB];
	_ =	sdelay $0x1  }
0x99: {  	s19 =	simm.s32 $_scs_section_size  }
0x9a: {  	s4 =	simm.s32 $_size__tile_overlayer_lowered;
	s5 =	simm.s32 $_tile_overlayer_lowered  }
0x9b: {  	s22 =	simm.s32 $0x1BFF;
	s21 =	sshll.u32 s5, $0x1;
	s2 =	sadd.s32 s19, s18  }
0x9c: {  	s6 =	simm.s32 $0x0;
	s20 =	sshll.u32 s4, $0x1;
	s4 =	sadd.s32 s21, s2  }
0x9d: {  	[timem:s6], [sflag:s22] =	dma.local [hbm:s4], s20  }
0x9e: {  	_ =	swait.ge [sflag:s22], s20  }
0x9f: {  	s3 =	ssub.s32 $0x0, s20;
	[sflag:s22] =	ssyncset.done $0x0  }
0xa0: {  	[sflag:s22] =	ssyncadd.s32 s3;
	_ =	sdelay $0x1  }
0xa1: {  	s23 =	simm.s32 $0x1B8B  }
0xa2: {  	_ =	swait.ge [sflag:s23], $0x1  }
0xa3: {  	[sflag:s23] =	ssyncset.done $0x0  }
0xa4: {  	s25 =	simm.s32 $0x1B8E;
	s24 =	sld [smem:$0x3FFE];
	[sflag:s23] =	ssyncadd.s32 $0xFFFFFFFF  }
0xa5: {  	s26 =	simm.s32 $execute0_lowered;
	[smem:$0x3FD2] =	sst s25  }
0xa6: {  	s4 =	sshll.u32 s26, $0x1;
	_ =	strace $0x80000049;
	[dreg:$0x1] =	wrdreg $0xFFFFFFFF  }
0xa7: {  	s28 =	simm.s32 $_size_execute0_lowered;
	s2 =	sadd.s32 s2, s4;
	[dreg:$0x0] =	wrdreg $0x0  }
0xa8: {  	s4 =	sshll.u32 s28, $0x1;
	[dreg:$0x2] =	wrdreg s2  }
0xa9: {  	[dreg:$0x3] =	wrdreg s4  }
0xaa: {  	[dreg:$0x4] =	wrdreg $0xC0  }
0xab: {  	_ =	task [dreg:s6], $0x5FFFF  }
0xac: {  	[dreg:$0x1] =	wrdreg $0xFFFFFFFF  }
0xad: {  	[dreg:$0x0] =	wrdreg $0x60  }
0xae: {  	[dreg:$0x2] =	wrdreg s24  }
0xaf: {  	[dreg:$0x3] =	wrdreg $0x90000  }
0xb0: {  	[dreg:$0x4] =	wrdreg $0x9  }
0xb1: {  	_ =	task.clear_ibuf [dreg:s6], $0x5FFFF;
	_ =	strace $0x90000049  }
0xb2: {  	s29 =	simm.s32 $0x9;
	_ =	strace $0x8000004B  }
0xb3: {  	_ =	swait.ge [sflag:s29], $0x1  }
0xb4: {  	[sflag:s29] =	ssyncadd.s32 $0xFFFFFFFF  }
0xb5: {  	_ =	strace $0x9000004B  }
0xb6: {  	_ =	sfence  }
0xb7: {  	s30 =	sld [smem:$0x0];
	_ =	sdelay $0x2  }
0xb8: {  	s31 =	sshll.u32 s1, $0xD;
	s1 =	sshrl.u32 s1, $0x2  }
0xb9: {  	s3 =	sand.u32 $0x4000, s31;
	s1 =	sadd.s32 s1, s30  }
0xba: {  	s0 =	sor.u32 s3, s0;
	s1 =	sshll.u32 s1, $0x11  }
0xbb: {  	s0 =	sor.u32 s1, s0  }
0xbc: {  	s0 =	sadd.s32 $0x8F2B, s0  }
0xbd: {  	[sflag:s0] =	ssyncadd.remote.s32 $0x1  }
0xbe: {  	_ =	sfence.sel $0xFFFF  }
0xbf: {  	[dreg:$0x0] =	wrdreg $0xFFFFFFFF;
	(pc) =	sbr.abs _section_cstart, $3  }
0xc0: {  	[dreg:$0x1] =	wrdreg $0xFFFFFFFF  }
0xc1: {  	_ =	task.clear_ibuf [dreg:s6], $0x2FFFF;
	_ =	strace $0x9FFFFFFF  }
0xc2: {  	(tm) =	ssettm $0x7FFFFFFF  }
0xc3: {  	_ =	shalt  }
tec
execute0_lowered:
.L_overlay_start_1:
0x0: {  	(tag) =	ssettag $0x1  }
0x1: {  	s4 =	rddreg [dreg:$0x0]  }
0x2: {  	s2 =	rddreg [dreg:$0x1]  }
0x3: {  	s0 =	rddreg [dreg:$0x2];
	s3 =	simm.s32 $0x0;
	s5 =	srdreg.scid  }
0x4: {  	s1 =	stileid.u32;
	s16 =	simm.s32 $0x3E00;
	s17 =	simm.s32 $0x0  }
0x5: {  	s5 =	sand.u32 $0x1, s5;
	s6 =	sshll.u32 s1, $0x1;
	s7 =	smul.u32 $0x14000, s1  }
0x6: {  	[smem:$0x7FF] =	sst s3;
	s10 =	sadd.s32 $0x9D5200, s4;
	s11 =	smul.u32 $0x50000, s1  }
0x7: {  	s14 =	smul.u32 $0x4E200, s1;
	s29 =	sshll.u32 s1, $0x6;
	s6 =	sor.u32 s5, s6  }
0x8: {  	s8 =	smul.u32 $0x140000, s5;
	_ =	strace $0x8000004A;
	s28 =	ssub.s32 $0x2, s5  }
0x9: {  	s15 =	smul.u32 $0x27100, s5;
	s5 =	sor.u32 $0x1C03, s29;
	s9 =	sshll.u32 s6, $0xB  }
0xa: {  	s12 =	sshrl.u32 s28, $0x1;
	s11 =	sshrl.u32 s11, $0x2;
	s13 =	smul.u32 $0x27100, s6  }
0xb: {  	s30 =	sadd.s32 s14, s10;
	s14 =	simm.s32 $0x50;
	s9 =	sadd.s32 s9, s4  }
0xc: {  	s8 =	sadd.s32 s7, s8;
	s7 =	sshrl.u32 s7, $0x3;
	s12 =	ssub.s32 s28, s12  }
0xd: {  	s11 =	sadd.s32 s11, s2;
	s31 =	sadd.s32 s15, s30;
	s15 =	simm.s32 $0x1  }
0xe: {  	s8 =	sshrl.u32 s8, $0x3;
	s7 =	sadd.s32 s7, s4;
	s6 =	sadd.s32 $0x1000, s9  }
0xf: {  	s9 =	smax.u32 s12, $0x1;
	s11 =	sshrl.u32 s11, $0x3;
	s12 =	simm.s32 $0x3  }
0x10: {  	s8 =	sadd.s32 s8, s4;
	s4 =	sadd.s32 $0x11000, s7;
	s7 =	sadd.s32 s10, s13  }
0x11: {  	s10 =	sadd.s32 $0x500, s31;
	s13 =	simm.s32 $0x4000;
	s8 =	sadd.s32 $0x39000, s8  }
.LBB2_1:
0x12: {  	[spmem:s11], [sflag:s5] =	dma.local [hbm:s4], $0x2800  }
0x13: {  	_ =	swait.ge [sflag:s12], $0x2800  }
0x14: {  	[sflag:s12] =	ssyncset.done $0x0  }
0x15: {  	s18 =	sand.u32 $0x1, s3;
	[sflag:s12] =	ssyncadd.s32 $0xFFFFD800  }
0x16: {  	[tilespmem:s3], [sflag:$0x3] =	stream.linear.gather [hbm4b:s6+s3], $0x3E80, $0x38;
	[tilespmem:$0x1D000] =	vst v63  }
0x17: {  	s19 =	sxor.u32 $0x1, s18;
	s29 =	smul.u32 $0xA000, s18;
	_ =	swait.ge [sflag:s12], $0x3E80  }
0x18: {  	s30 =	simm.s32 $0x1;
	s20 =	smul.u32 $0xA000, s19;
	[sflag:s12] =	ssyncset.done $0x0  }
0x19: {  	s23 =	simm.s32 $0x2;
	s18 =	sadd.s32 $0x1, s18;
	[sflag:s12] =	ssyncadd.s32 $0xFFFFC180  }
0x1a: {  	s21 =	sshrl.u32 s29, $0x2;
	s20 =	sshrl.u32 s20, $0x2;
	[bflag:$0x0] =	sbarrier.arrive $0xFFFF  }
0x1b: {  	[tilespmem:s13], [sflag:$0x1] =	stream.linear.gather [hbm4b:s7+s3], $0x2800, $0x38;
	[tilespmem:$0x1D000] =	vst v63  }
0x1c: {  	s19 =	sadd.s32 $0x1, s19;
	s31 =	sor.u32 $0x4000, s21;
	s20 =	sor.u32 $0x4000, s20  }
0x1d: {  	[tilespmem:s20], [sflag:s19] =	stream.linear.gather [hbm4b:s10+s3], $0x2800, $0x38;
	[tilespmem:$0x1D000] =	vst v63  }
0x1e: {  	s19 =	sand.u32 $0x1, s30;
	s20 =	sadd.s32 $0x500, s10;
	_ =	swait.ge [sflag:s18], $0x2800  }
0x1f: {  	s21 =	sxor.u32 $0x1, s19;
	s22 =	smul.u32 $0xA000, s19;
	[sflag:s18] =	ssyncset.done $0x0  }
0x20: {  	s24 =	smul.u32 $0xA000, s21;
	[sflag:s18] =	ssyncadd.s32 $0xFFFFD800;
	s18 =	simm.s32 $0x80  }
0x21: {  	[spmem:s2] =	stream.indirect.scatter.add.f32 [tilespmem:s31], [sflag:$0x3], $0x80, s3, s14, $0xb8;
	[tilespmem:$0x1D000] =	vst v63  }
.LBB2_2:
0x22: {  	s24 =	sshrl.u32 s24, $0x2;
	s22 =	sshrl.u32 s22, $0x2;
	_ =	swait.ge [sflag:s12], $0x2800  }
0x23: {  	s25 =	smov.u32 s23;
	s26 =	smov.u32 s18;
	s28 =	sadd.s32 $0x1, s23  }
0x24: {  	p0 =	sne.s32 s23, $0x7B;
	s24 =	sor.u32 $0x4000, s24;
	[sflag:s12] =	ssyncset.done $0x0  }
0x25: {  	s21 =	sadd.s32 $0x1, s21;
	s23 =	sadd.s32 $0x1, s19;
	[sflag:s12] =	ssyncadd.s32 $0xFFFFD800  }
0x26: {  	[tilespmem:s24], [sflag:s21] =	stream.linear.gather [hbm4b:s20+s3], $0x2800, $0x38;
	[tilespmem:$0x1D000] =	vst v63  }
.Ltmp0:
0x27: {  	s18 =	sadd.s32 $0x80, s18;
	s20 =	sadd.s32 $0x500, s20;
	(pc) =	sbr.rel @p0 .LBB2_2-.Ltmp0, $4  }
0x28: {  	s19 =	sand.u32 $0x1, s25;
	s25 =	sor.u32 $0x4000, s22;
	_ =	swait.ge [sflag:s23], $0x2800  }
0x29: {  	s22 =	smul.u32 $0xA000, s19;
	s21 =	sxor.u32 $0x1, s19;
	[sflag:s23] =	ssyncset.done $0x0  }
0x2a: {  	s24 =	smul.u32 $0xA000, s21;
	[sflag:s23] =	ssyncadd.s32 $0xFFFFD800;
	s23 =	smov.u32 s28  }
0x2b: {  	[spmem:s2] =	stream.indirect.scatter.add.f32 [tilespmem:s25], [sflag:$0x3], $0x80, s26, s14, $0xb8;
	[tilespmem:$0x1D000] =	vst v63  }
0x2c: {  	_ =	swait.ge [sflag:s12], $0x2800  }
0x2d: {  	s23 =	sshrl.u32 s24, $0x2;
	s21 =	sadd.s32 $0x1, s21;
	[sflag:s12] =	ssyncset.done $0x0  }
0x2e: {  	s19 =	sadd.s32 $0x1, s19;
	s23 =	sor.u32 $0x4000, s23;
	[sflag:s12] =	ssyncadd.s32 $0xFFFFD800  }
0x2f: {  	[tilespmem:s23], [sflag:s21] =	stream.linear.gather [hbm4b:s20+s3], $0x2800, $0x38;
	[tilespmem:$0x1D000] =	vst v63  }
0x30: {  	_ =	swait.ge [sflag:s19], $0x2800  }
0x31: {  	s31 =	sshrl.u32 s22, $0x2;
	[sflag:s19] =	ssyncset.done $0x0  }
0x32: {  	s20 =	sor.u32 $0x4000, s31;
	[sflag:s19] =	ssyncadd.s32 $0xFFFFD800  }
0x33: {  	[spmem:s2] =	stream.indirect.scatter.add.f32 [tilespmem:s20], [sflag:$0x3], $0x80, s18, s14, $0xb8;
	[tilespmem:$0x1D000] =	vst v63  }
0x34: {  	_ =	swait.ge [sflag:s12], $0x2800  }
0x35: {  	[sflag:s12] =	ssyncset.done $0x0  }
0x36: {  	[sflag:s12] =	ssyncadd.s32 $0xFFFFD800  }
0x37: {  	_ =	swait.ge [sflag:s15], $0x2800  }
0x38: {  	[sflag:s15] =	ssyncset.done $0x0  }
0x39: {  	[sflag:s15] =	ssyncadd.s32 $0xFFFFD800  }
0x3a: {  	[spmem:s2] =	stream.indirect.scatter.add.f32 [tilespmem:s13], [sflag:$0x3], $0x80, s16, s14, $0xb8;
	[tilespmem:$0x1D000] =	vst v63  }
0x3b: {  	_ =	swait.ge [sflag:s12], $0x2800  }
0x3c: {  	s17 =	sadd.s32 $0x1, s17;
	[sflag:s12] =	ssyncset.done $0x0  }
0x3d: {  	p0 =	sne.s32 s17, s9;
	[sflag:s12] =	ssyncadd.s32 $0xFFFFD800  }
.Ltmp1:
0x3e: {  	[bflag:$0x0] =	sbarrier.arrive $0xFFFF;
	(pc) =	sbr.rel @p0 .LBB2_1-.Ltmp1, $4  }
0x3f: {  	[hbm:s8], [sflag:s5] =	dma.local [spmem:s11], $0x2800  }
0x40: {  	_ =	swait.ge [sflag:s12], $0x2800  }
0x41: {  	[sflag:s12] =	ssyncset.done $0x0  }
0x42: {  	[sflag:s12] =	ssyncadd.s32 $0xFFFFD800  }
0x43: {  	_ =	sfence.sel $0x180000  }
0x44: {  	[bflag:$0x0] =	sbarrier.arrive $0xFFFF  }
0x45: {  	p0 =	sne.s32 s1, $0x0;
	_ =	strace $0x9000004A  }
0x46: {  	s0 =	sadd.s32 @!p0 $0x100000, s0;
	[bflag:$0x2] =	sbarrier.arrive $0xFFFF  }
0x47: {  	[sflag:s0] =	ssyncadd.tile.s32 @!p0 $0x1;
	_ =	shalt  }
.Lfunc_end2:
_tile_overlayer_lowered:
.L_overlay_start_2:
0x48: {  	(tag) =	ssettag $0x2  }
0x49: {  	s0 =	rddreg [dreg:$0x0];
	s2 =	stileid.u32  }
0x4a: {  	s1 =	rddreg [dreg:$0x1];
	p0 =	sne.s32 s2, $0x0  }
0x4b: {  	s3 =	rddreg [dreg:$0x2];
	[bflag:$0x3] =	sbarrier.arrive $0xFFFF;
	s2 =	simm.s32 @!p0 $0x1C03  }
0x4c: {  	[timem:s3], [sflag:s2] =	dma.local @!p0 [hbm:s0], s1  }
0x4d: {  	s0 =	simm.s32 @!p0 $0x3  }
0x4e: {  	_ =	swait.ge @!p0 [sflag:s0], s1  }
0x4f: {  	s1 =	ssub.s32 @!p0 $0x0, s1;
	[sflag:s0] =	ssyncset.done @!p0 $0x0  }
0x50: {  	[sflag:s0] =	ssyncadd.s32 @!p0 s1  }
0x51: {  	[bflag:$0x3] =	sbarrier.arrive $0xFFFF  }
0x52: {  	_ =	shalt  }

</sc_bundles>
